<compile_context>
chip_gen: v7x
topology: tpu7x:2x2x1
jax: 0.10.2.dev20260603
libtpu: 0.0.44.dev20260713+nightly
codegen_flags: <defaults>
</compile_context>

<pallas_src>
import functools

import jax
import jax.numpy as jnp
from jax import lax
from jax.experimental import pallas as pl
from jax.experimental.pallas import tpu as pltpu
from jax.experimental.pallas import tpu_sc as plsc

B = 16384
D = 128
NC = 2
NS = 16
NW = NC * NS
CH = 128
NBUF = 4
NCHUNK = 2
BC = B // NCHUNK
BPW = BC // NW
NCH = BPW // CH


def _sc_gather_body(chunk, uemb_hbm, iemb_hbm, u_hbm, i_hbm, eu_hbm, ei_hbm,
                    uidx_v, iidx_v, bufs, gsem, wsem):
  wid = lax.axis_index("s") * NC + lax.axis_index("c")
  base = wid * BPW

  cu = pltpu.async_copy(u_hbm.at[pl.ds(chunk * BC + base, BPW)], uidx_v, gsem)
  ci = pltpu.async_copy(i_hbm.at[pl.ds(chunk * BC + base, BPW)], iidx_v, wsem)

  def stage(s):
    if s < NCH:
      return (uemb_hbm.at[uidx_v.at[pl.ds(s * CH, CH)]],
              eu_hbm.at[pl.ds(base + s * CH, CH)])
    c = s - NCH
    return (iemb_hbm.at[iidx_v.at[pl.ds(c * CH, CH)]],
            ei_hbm.at[pl.ds(base + c * CH, CH)])

  nst = 2 * NCH
  gathers = [None] * nst
  cu.wait()
  for s in range(NCH):
    gathers[s] = pltpu.async_copy(
        stage(s)[0], bufs.at[pl.ds((s % NBUF) * CH, CH)], gsem)
  ci.wait()
  for s in range(NCH, nst):
    gathers[s] = pltpu.async_copy(
        stage(s)[0], bufs.at[pl.ds((s % NBUF) * CH, CH)], gsem)
  writes = [None] * (nst // 2)
  for w in range(nst // 2):
    gathers[2 * w].wait()
    gathers[2 * w + 1].wait()
    dst = (eu_hbm if 2 * w < NCH else ei_hbm)
    off = (2 * w) % NCH
    writes[w] = pltpu.async_copy(
        bufs.at[pl.ds(((2 * w) % NBUF) * CH, 2 * CH)],
        dst.at[pl.ds(base + off * CH, 2 * CH)], wsem)
  for w in range(nst // 2):
    writes[w].wait()


def _sc_gather(user_emb, item_emb, u, i, chunk):
  mesh = plsc.VectorSubcoreMesh(core_axis_name="c", subcore_axis_name="s")
  out = jax.ShapeDtypeStruct((BC, D), jnp.float32)
  return pl.kernel(
      functools.partial(_sc_gather_body, chunk),
      out_type=(out, out),
      mesh=mesh,
      scratch_types=[
          pltpu.VMEM((BPW,), jnp.int32),
          pltpu.VMEM((BPW,), jnp.int32),
          pltpu.VMEM((NBUF * CH, D), jnp.float32),
          pltpu.SemaphoreType.DMA,
          pltpu.SemaphoreType.DMA,
      ],
  )(user_emb, item_emb, u, i)


BLK = 4096


def _mlp_body(eu, ei, w1, b1, w2, b2, w3, b3c, w4c, b4, *acc_out):
  out = acc_out[-1]
  w1v = w1[...]
  h = jnp.dot(eu[...], w1v[:D], preferred_element_type=jnp.float32)
  h = h + jnp.dot(ei[...], w1v[D:], preferred_element_type=jnp.float32)
  h = jnp.maximum(h + b1[...], 0.0)
  h = jnp.maximum(jnp.dot(h, w2[...], preferred_element_type=jnp.float32)
                  + b2[...], 0.0)
  h3t = lax.dot_general(w3[...], h, (((0,), (1,)), ((), ())),
                        preferred_element_type=jnp.float32)
  h3t = jnp.maximum(h3t + b3c[...], 0.0)
  o = jnp.sum(h3t * w4c[...], axis=0) + b4[0]
  out[...] = 1.0 / (1.0 + jnp.exp(-o))


def _mlp(eu, ei, W1, b1, W2, b2, W3, b3, W4, b4, acc, chunk):
  whole = lambda shape: pl.BlockSpec(shape, lambda n: (0,) * len(shape))
  goff = chunk * (BC // BLK)
  in_specs = [
      pl.BlockSpec((BLK, D), lambda n: (n, 0)),
      pl.BlockSpec((BLK, D), lambda n: (n, 0)),
      whole((2 * D, 128)),
      whole((128,)),
      whole((128, 64)),
      whole((64,)),
      whole((64, 16)),
      whole((16, 1)),
      whole((16, 1)),
      whole((1,)),
  ]
  args = [eu, ei, W1, b1, W2, b2, W3, b3.reshape(16, 1), W4, b4]
  aliases = {}
  if acc is not None:
    in_specs.append(pl.BlockSpec(memory_space=pl.ANY))
    args.append(acc)
    aliases = {10: 0}
  return pl.pallas_call(
      _mlp_body,
      grid=(BC // BLK,),
      in_specs=in_specs,
      out_specs=pl.BlockSpec((BLK,), lambda n: (goff + n,)),
      out_shape=jax.ShapeDtypeStruct((B,), jnp.float32),
      input_output_aliases=aliases,
  )(*args)


def kernel(u, i, user_emb, item_emb, W1, b1, W2, b2, W3, b3, W4, b4):
  u = u.astype(jnp.int32)
  i = i.astype(jnp.int32)
  acc = None
  for k in range(NCHUNK):
    eu, ei = _sc_gather(user_emb, item_emb, u, i, k)
    acc = _mlp(eu, ei, W1, b1, W2, b2, W3, b3, W4, b4, acc, k)
  return acc

# --- scband reference (transcript-rebuilt; emitter-appended) ---
"""Pipeline reference for scband-ncf-45157286150600 (READ-ONLY COPY).

The authoritative reference and input builder live on the scoring server;
editing this copy changes nothing except your own understanding.
"""

import jax, jax.numpy as jnp
import numpy as np

B = 16384
NU = 1000000
NI = 100000
D = 128

def setup_inputs(seed: int = 0) -> dict:
    key = jax.random.key(seed)
    ks = jax.random.split(key, 12)
    u = jax.random.randint(ks[0], (B,), 0, NU, dtype=jnp.int64) if jax.config.jax_enable_x64 else jax.random.randint(ks[0], (B,), 0, NU, dtype=jnp.int32)
    i = jax.random.randint(ks[1], (B,), 0, NI, dtype=jnp.int32)
    user_emb = jax.random.normal(ks[2], (NU, D), dtype=jnp.float32) * 0.02
    item_emb = jax.random.normal(ks[3], (NI, D), dtype=jnp.float32) * 0.02
    W1 = jax.random.normal(ks[4], (2 * D, 128), dtype=jnp.float32) * 0.05
    b1 = jnp.zeros((128,), dtype=jnp.float32)
    W2 = jax.random.normal(ks[5], (128, 64), dtype=jnp.float32) * 0.05
    b2 = jnp.zeros((64,), dtype=jnp.float32)
    W3 = jax.random.normal(ks[6], (64, 16), dtype=jnp.float32) * 0.05
    b3 = jnp.zeros((16,), dtype=jnp.float32)
    W4 = jax.random.normal(ks[7], (16, 1), dtype=jnp.float32) * 0.05
    b4 = jnp.zeros((1,), dtype=jnp.float32)
    return {"u": u, "i": i, "user_emb": user_emb, "item_emb": item_emb,
            "W1": W1, "b1": b1, "W2": W2, "b2": b2, "W3": W3, "b3": b3, "W4": W4, "b4": b4}

def reference(u, i, user_emb, item_emb, W1, b1, W2, b2, W3, b3, W4, b4):
    eu = jnp.take(user_emb, u, axis=0)
    ei = jnp.take(item_emb, i, axis=0)
    h = jnp.concatenate([eu, ei], axis=1)
    h = jax.nn.relu(h @ W1 + b1)
    h = jax.nn.relu(h @ W2 + b2)
    # Dropout is identity in eval mode
    h = jax.nn.relu(h @ W3 + b3)
    out = jax.nn.sigmoid(h @ W4 + b4)
    return jnp.squeeze(out, axis=-1)

if __name__ == "__main__":
    import jax
    _d = setup_inputs()
    print(jax.jit(kernel)(*tuple(_d.values())))

</pallas_src>

<mosaic_0001>
#map = affine_map<(d0, d1) -> (0, 0)>
#map1 = affine_map<(d0, d1) -> (0)>
module attributes {stable_mosaic.version = 14 : i64} {
  func.func @_sc_gather_body(%arg0: i32, %arg1: i32, %arg2: memref<1000000x128xf32, #tpu.memory_space<hbm>>, %arg3: memref<100000x128xf32, #tpu.memory_space<hbm>>, %arg4: memref<16384xi32, #tpu.memory_space<hbm>>, %arg5: memref<16384xi32, #tpu.memory_space<hbm>>, %arg6: memref<8192x128xf32, #tpu.memory_space<hbm>>, %arg7: memref<8192x128xf32, #tpu.memory_space<hbm>>, %arg8: memref<256xi32, #tpu.memory_space<vmem>>, %arg9: memref<256xi32, #tpu.memory_space<vmem>>, %arg10: memref<512x128xf32, #tpu.memory_space<vmem>>, %arg11: memref<!tpu.dma_semaphore, #tpu.memory_space<semaphore_mem>>, %arg12: memref<!tpu.dma_semaphore, #tpu.memory_space<semaphore_mem>>) attributes {dimension_semantics = [#tpu.dimension_semantics<core_parallel>, #tpu.dimension_semantics<subcore_parallel>], iteration_bounds = array<i64: 2, 16>, scalar_prefetch = 0 : i64, scratch_operands = 5 : i64, tpu.core_type = #tpu.core_type<sc_vector_subcore>, window_params = [{transform_indices = #map}, {transform_indices = #map}, {transform_indices = #map1}, {transform_indices = #map1}, {transform_indices = #map}, {transform_indices = #map}]} {
    %mul3A = arith.constant 2 : i32
    %mul3A_0 = arith.muli %arg1, %mul3A : i32
    %add3A = arith.addi %mul3A_0, %arg0 : i32
    %mul3A_1 = arith.constant 256 : i32
    %mul3A_2 = arith.muli %add3A, %mul3A_1 : i32
    %add3A_3 = arith.constant 8192 : i32
    %add3A_4 = arith.addi %add3A_3, %mul3A_2 : i32
    %dma_start3A = tpu.memref_slice %arg4[%add3A_4] : memref<16384xi32, #tpu.memory_space<hbm>> -> memref<256xi32, #tpu.memory_space<hbm>>
    %dma_start3A_5 = tpu.memref_slice %arg4[%add3A_4] : memref<16384xi32, #tpu.memory_space<hbm>> -> memref<256xi32, #tpu.memory_space<hbm>>
    tpu.enqueue_dma source(%dma_start3A_5 : memref<256xi32, #tpu.memory_space<hbm>>) target(%arg8 : memref<256xi32, #tpu.memory_space<vmem>>) target_semaphore(%arg11 : memref<!tpu.dma_semaphore, #tpu.memory_space<semaphore_mem>>)
    %add3A_6 = arith.constant 8192 : i32
    %add3A_7 = arith.addi %add3A_6, %mul3A_2 : i32
    %dma_start3A_8 = tpu.memref_slice %arg5[%add3A_7] : memref<16384xi32, #tpu.memory_space<hbm>> -> memref<256xi32, #tpu.memory_space<hbm>>
    %dma_start3A_9 = tpu.memref_slice %arg5[%add3A_7] : memref<16384xi32, #tpu.memory_space<hbm>> -> memref<256xi32, #tpu.memory_space<hbm>>
    tpu.enqueue_dma source(%dma_start3A_9 : memref<256xi32, #tpu.memory_space<hbm>>) target(%arg9 : memref<256xi32, #tpu.memory_space<vmem>>) target_semaphore(%arg12 : memref<!tpu.dma_semaphore, #tpu.memory_space<semaphore_mem>>)
    %dma_wait3A = tpu.memref_slice %arg4[%add3A_4] : memref<16384xi32, #tpu.memory_space<hbm>> -> memref<256xi32, #tpu.memory_space<hbm>>
    %dma_wait3A_10 = tpu.memref_slice %arg4[%add3A_4] : memref<16384xi32, #tpu.memory_space<hbm>> -> memref<256xi32, #tpu.memory_space<hbm>>
    tpu.wait_dma2 semaphore(%arg11 : memref<!tpu.dma_semaphore, #tpu.memory_space<semaphore_mem>>) src(%dma_wait3A_10 : memref<256xi32, #tpu.memory_space<hbm>>) dst(%arg8 : memref<256xi32, #tpu.memory_space<vmem>>)
    %add3A_11 = arith.constant 0 : i32
    %add3A_12 = arith.addi %mul3A_2, %add3A_11 : i32
    %dma_start3A_13 = arith.constant 0 : i32
    %dma_start3A_14 = arith.constant 0 : i32
    %dma_start3A_15 = tpu.memref_slice %arg10[%dma_start3A_13, %dma_start3A_14] : memref<512x128xf32, #tpu.memory_space<vmem>> -> memref<128x128xf32, #tpu.memory_space<vmem>>
    %dma_start3A_16 = arith.constant 0 : i32
    %dma_start3A_17 = tpu.memref_slice %arg8[%dma_start3A_16] : memref<256xi32, #tpu.memory_space<vmem>> -> memref<128xi32, #tpu.memory_space<vmem>>
    %dma_start3A_18 = arith.constant 0 : i32
    %dma_start3A_19 = arith.constant 0 : i32
    %dma_start3A_20 = tpu.memref_slice %arg2[%dma_start3A_18, %dma_start3A_19] : memref<1000000x128xf32, #tpu.memory_space<hbm>> -> memref<1000000x128xf32, #tpu.memory_space<hbm>>
    tpu.enqueue_indirect_dma source(%dma_start3A_20 : memref<1000000x128xf32, #tpu.memory_space<hbm>>) target(%dma_start3A_15 : memref<128x128xf32, #tpu.memory_space<vmem>>) offsets(%dma_start3A_17 : memref<128xi32, #tpu.memory_space<vmem>>) semaphore(%arg11 : memref<!tpu.dma_semaphore, #tpu.memory_space<semaphore_mem>>)
    %add3A_21 = arith.constant 128 : i32
    %add3A_22 = arith.addi %mul3A_2, %add3A_21 : i32
    %dma_start3A_23 = arith.constant 128 : i32
    %dma_start3A_24 = arith.constant 0 : i32
    %dma_start3A_25 = tpu.memref_slice %arg10[%dma_start3A_23, %dma_start3A_24] : memref<512x128xf32, #tpu.memory_space<vmem>> -> memref<128x128xf32, #tpu.memory_space<vmem>>
    %dma_start3A_26 = arith.constant 128 : i32
    %dma_start3A_27 = tpu.memref_slice %arg8[%dma_start3A_26] : memref<256xi32, #tpu.memory_space<vmem>> -> memref<128xi32, #tpu.memory_space<vmem>>
    %dma_start3A_28 = arith.constant 0 : i32
    %dma_start3A_29 = arith.constant 0 : i32
    %dma_start3A_30 = tpu.memref_slice %arg2[%dma_start3A_28, %dma_start3A_29] : memref<1000000x128xf32, #tpu.memory_space<hbm>> -> memref<1000000x128xf32, #tpu.memory_space<hbm>>
    tpu.enqueue_indirect_dma source(%dma_start3A_30 : memref<1000000x128xf32, #tpu.memory_space<hbm>>) target(%dma_start3A_25 : memref<128x128xf32, #tpu.memory_space<vmem>>) offsets(%dma_start3A_27 : memref<128xi32, #tpu.memory_space<vmem>>) semaphore(%arg11 : memref<!tpu.dma_semaphore, #tpu.memory_space<semaphore_mem>>)
    %dma_wait3A_31 = tpu.memref_slice %arg5[%add3A_7] : memref<16384xi32, #tpu.memory_space<hbm>> -> memref<256xi32, #tpu.memory_space<hbm>>
    %dma_wait3A_32 = tpu.memref_slice %arg5[%add3A_7] : memref<16384xi32, #tpu.memory_space<hbm>> -> memref<256xi32, #tpu.memory_space<hbm>>
    tpu.wait_dma2 semaphore(%arg12 : memref<!tpu.dma_semaphore, #tpu.memory_space<semaphore_mem>>) src(%dma_wait3A_32 : memref<256xi32, #tpu.memory_space<hbm>>) dst(%arg9 : memref<256xi32, #tpu.memory_space<vmem>>)
    %add3A_33 = arith.constant 0 : i32
    %add3A_34 = arith.addi %mul3A_2, %add3A_33 : i32
    %dma_start3A_35 = arith.constant 256 : i32
    %dma_start3A_36 = arith.constant 0 : i32
    %dma_start3A_37 = tpu.memref_slice %arg10[%dma_start3A_35, %dma_start3A_36] : memref<512x128xf32, #tpu.memory_space<vmem>> -> memref<128x128xf32, #tpu.memory_space<vmem>>
    %dma_start3A_38 = arith.constant 0 : i32
    %dma_start3A_39 = tpu.memref_slice %arg9[%dma_start3A_38] : memref<256xi32, #tpu.memory_space<vmem>> -> memref<128xi32, #tpu.memory_space<vmem>>
    %dma_start3A_40 = arith.constant 0 : i32
    %dma_start3A_41 = arith.constant 0 : i32
    %dma_start3A_42 = tpu.memref_slice %arg3[%dma_start3A_40, %dma_start3A_41] : memref<100000x128xf32, #tpu.memory_space<hbm>> -> memref<100000x128xf32, #tpu.memory_space<hbm>>
    tpu.enqueue_indirect_dma source(%dma_start3A_42 : memref<100000x128xf32, #tpu.memory_space<hbm>>) target(%dma_start3A_37 : memref<128x128xf32, #tpu.memory_space<vmem>>) offsets(%dma_start3A_39 : memref<128xi32, #tpu.memory_space<vmem>>) semaphore(%arg11 : memref<!tpu.dma_semaphore, #tpu.memory_space<semaphore_mem>>)
    %add3A_43 = arith.constant 128 : i32
    %add3A_44 = arith.addi %mul3A_2, %add3A_43 : i32
    %dma_start3A_45 = arith.constant 384 : i32
    %dma_start3A_46 = arith.constant 0 : i32
    %dma_start3A_47 = tpu.memref_slice %arg10[%dma_start3A_45, %dma_start3A_46] : memref<512x128xf32, #tpu.memory_space<vmem>> -> memref<128x128xf32, #tpu.memory_space<vmem>>
    %dma_start3A_48 = arith.constant 128 : i32
    %dma_start3A_49 = tpu.memref_slice %arg9[%dma_start3A_48] : memref<256xi32, #tpu.memory_space<vmem>> -> memref<128xi32, #tpu.memory_space<vmem>>
    %dma_start3A_50 = arith.constant 0 : i32
    %dma_start3A_51 = arith.constant 0 : i32
    %dma_start3A_52 = tpu.memref_slice %arg3[%dma_start3A_50, %dma_start3A_51] : memref<100000x128xf32, #tpu.memory_space<hbm>> -> memref<100000x128xf32, #tpu.memory_space<hbm>>
    tpu.enqueue_indirect_dma source(%dma_start3A_52 : memref<100000x128xf32, #tpu.memory_space<hbm>>) target(%dma_start3A_47 : memref<128x128xf32, #tpu.memory_space<vmem>>) offsets(%dma_start3A_49 : memref<128xi32, #tpu.memory_space<vmem>>) semaphore(%arg11 : memref<!tpu.dma_semaphore, #tpu.memory_space<semaphore_mem>>)
    %dma_wait3A_53 = arith.constant 0 : i32
    %dma_wait3A_54 = arith.constant 0 : i32
    %dma_wait3A_55 = tpu.memref_slice %arg10[%dma_wait3A_53, %dma_wait3A_54] : memref<512x128xf32, #tpu.memory_space<vmem>> -> memref<128x128xf32, #tpu.memory_space<vmem>>
    %dma_wait3A_56 = arith.constant 0 : i32
    %dma_wait3A_57 = tpu.memref_slice %arg8[%dma_wait3A_56] : memref<256xi32, #tpu.memory_space<vmem>> -> memref<128xi32, #tpu.memory_space<vmem>>
    %dma_wait3A_58 = arith.constant 0 : i32
    %dma_wait3A_59 = arith.constant 0 : i32
    %dma_wait3A_60 = tpu.memref_slice %arg2[%dma_wait3A_58, %dma_wait3A_59] : memref<1000000x128xf32, #tpu.memory_space<hbm>> -> memref<1000000x128xf32, #tpu.memory_space<hbm>>
    tpu.wait_indirect_dma semaphore(%arg11 : memref<!tpu.dma_semaphore, #tpu.memory_space<semaphore_mem>>) src(%dma_wait3A_60 : memref<1000000x128xf32, #tpu.memory_space<hbm>>) dst(%dma_wait3A_55 : memref<128x128xf32, #tpu.memory_space<vmem>>)
    %dma_wait3A_61 = arith.constant 128 : i32
    %dma_wait3A_62 = arith.constant 0 : i32
    %dma_wait3A_63 = tpu.memref_slice %arg10[%dma_wait3A_61, %dma_wait3A_62] : memref<512x128xf32, #tpu.memory_space<vmem>> -> memref<128x128xf32, #tpu.memory_space<vmem>>
    %dma_wait3A_64 = arith.constant 128 : i32
    %dma_wait3A_65 = tpu.memref_slice %arg8[%dma_wait3A_64] : memref<256xi32, #tpu.memory_space<vmem>> -> memref<128xi32, #tpu.memory_space<vmem>>
    %dma_wait3A_66 = arith.constant 0 : i32
    %dma_wait3A_67 = arith.constant 0 : i32
    %dma_wait3A_68 = tpu.memref_slice %arg2[%dma_wait3A_66, %dma_wait3A_67] : memref<1000000x128xf32, #tpu.memory_space<hbm>> -> memref<1000000x128xf32, #tpu.memory_space<hbm>>
    tpu.wait_indirect_dma semaphore(%arg11 : memref<!tpu.dma_semaphore, #tpu.memory_space<semaphore_mem>>) src(%dma_wait3A_68 : memref<1000000x128xf32, #tpu.memory_space<hbm>>) dst(%dma_wait3A_63 : memref<128x128xf32, #tpu.memory_space<vmem>>)
    %add3A_69 = arith.constant 0 : i32
    %add3A_70 = arith.addi %mul3A_2, %add3A_69 : i32
    %dma_start3A_71 = arith.constant 0 : i32
    %dma_start3A_72 = arith.constant 0 : i32
    %dma_start3A_73 = tpu.memref_slice %arg10[%dma_start3A_71, %dma_start3A_72] : memref<512x128xf32, #tpu.memory_space<vmem>> -> memref<256x128xf32, #tpu.memory_space<vmem>>
    %dma_start3A_74 = arith.constant 0 : i32
    %dma_start3A_75 = tpu.memref_slice %arg6[%add3A_70, %dma_start3A_74] : memref<8192x128xf32, #tpu.memory_space<hbm>> -> memref<256x128xf32, #tpu.memory_space<hbm>>
    %dma_start3A_76 = arith.constant 0 : i32
    %dma_start3A_77 = tpu.memref_slice %arg6[%add3A_70, %dma_start3A_76] : memref<8192x128xf32, #tpu.memory_space<hbm>> -> memref<256x128xf32, #tpu.memory_space<hbm>>
    %dma_start3A_78 = arith.constant 0 : i32
    %dma_start3A_79 = arith.constant 0 : i32
    %dma_start3A_80 = tpu.memref_slice %arg10[%dma_start3A_78, %dma_start3A_79] : memref<512x128xf32, #tpu.memory_space<vmem>> -> memref<256x128xf32, #tpu.memory_space<vmem>>
    tpu.enqueue_dma source(%dma_start3A_80 : memref<256x128xf32, #tpu.memory_space<vmem>>) target(%dma_start3A_77 : memref<256x128xf32, #tpu.memory_space<hbm>>) target_semaphore(%arg12 : memref<!tpu.dma_semaphore, #tpu.memory_space<semaphore_mem>>)
    %dma_wait3A_81 = arith.constant 256 : i32
    %dma_wait3A_82 = arith.constant 0 : i32
    %dma_wait3A_83 = tpu.memref_slice %arg10[%dma_wait3A_81, %dma_wait3A_82] : memref<512x128xf32, #tpu.memory_space<vmem>> -> memref<128x128xf32, #tpu.memory_space<vmem>>
    %dma_wait3A_84 = arith.constant 0 : i32
    %dma_wait3A_85 = tpu.memref_slice %arg9[%dma_wait3A_84] : memref<256xi32, #tpu.memory_space<vmem>> -> memref<128xi32, #tpu.memory_space<vmem>>
    %dma_wait3A_86 = arith.constant 0 : i32
    %dma_wait3A_87 = arith.constant 0 : i32
    %dma_wait3A_88 = tpu.memref_slice %arg3[%dma_wait3A_86, %dma_wait3A_87] : memref<100000x128xf32, #tpu.memory_space<hbm>> -> memref<100000x128xf32, #tpu.memory_space<hbm>>
    tpu.wait_indirect_dma semaphore(%arg11 : memref<!tpu.dma_semaphore, #tpu.memory_space<semaphore_mem>>) src(%dma_wait3A_88 : memref<100000x128xf32, #tpu.memory_space<hbm>>) dst(%dma_wait3A_83 : memref<128x128xf32, #tpu.memory_space<vmem>>)
    %dma_wait3A_89 = arith.constant 384 : i32
    %dma_wait3A_90 = arith.constant 0 : i32
    %dma_wait3A_91 = tpu.memref_slice %arg10[%dma_wait3A_89, %dma_wait3A_90] : memref<512x128xf32, #tpu.memory_space<vmem>> -> memref<128x128xf32, #tpu.memory_space<vmem>>
    %dma_wait3A_92 = arith.constant 128 : i32
    %dma_wait3A_93 = tpu.memref_slice %arg9[%dma_wait3A_92] : memref<256xi32, #tpu.memory_space<vmem>> -> memref<128xi32, #tpu.memory_space<vmem>>
    %dma_wait3A_94 = arith.constant 0 : i32
    %dma_wait3A_95 = arith.constant 0 : i32
    %dma_wait3A_96 = tpu.memref_slice %arg3[%dma_wait3A_94, %dma_wait3A_95] : memref<100000x128xf32, #tpu.memory_space<hbm>> -> memref<100000x128xf32, #tpu.memory_space<hbm>>
    tpu.wait_indirect_dma semaphore(%arg11 : memref<!tpu.dma_semaphore, #tpu.memory_space<semaphore_mem>>) src(%dma_wait3A_96 : memref<100000x128xf32, #tpu.memory_space<hbm>>) dst(%dma_wait3A_91 : memref<128x128xf32, #tpu.memory_space<vmem>>)
    %add3A_97 = arith.constant 0 : i32
    %add3A_98 = arith.addi %mul3A_2, %add3A_97 : i32
    %dma_start3A_99 = arith.constant 256 : i32
    %dma_start3A_100 = arith.constant 0 : i32
    %dma_start3A_101 = tpu.memref_slice %arg10[%dma_start3A_99, %dma_start3A_100] : memref<512x128xf32, #tpu.memory_space<vmem>> -> memref<256x128xf32, #tpu.memory_space<vmem>>
    %dma_start3A_102 = arith.constant 0 : i32
    %dma_start3A_103 = tpu.memref_slice %arg7[%add3A_98, %dma_start3A_102] : memref<8192x128xf32, #tpu.memory_space<hbm>> -> memref<256x128xf32, #tpu.memory_space<hbm>>
    %dma_start3A_104 = arith.constant 0 : i32
    %dma_start3A_105 = tpu.memref_slice %arg7[%add3A_98, %dma_start3A_104] : memref<8192x128xf32, #tpu.memory_space<hbm>> -> memref<256x128xf32, #tpu.memory_space<hbm>>
    %dma_start3A_106 = arith.constant 256 : i32
    %dma_start3A_107 = arith.constant 0 : i32
    %dma_start3A_108 = tpu.memref_slice %arg10[%dma_start3A_106, %dma_start3A_107] : memref<512x128xf32, #tpu.memory_space<vmem>> -> memref<256x128xf32, #tpu.memory_space<vmem>>
    tpu.enqueue_dma source(%dma_start3A_108 : memref<256x128xf32, #tpu.memory_space<vmem>>) target(%dma_start3A_105 : memref<256x128xf32, #tpu.memory_space<hbm>>) target_semaphore(%arg12 : memref<!tpu.dma_semaphore, #tpu.memory_space<semaphore_mem>>)
    %dma_wait3A_109 = arith.constant 0 : i32
    %dma_wait3A_110 = arith.constant 0 : i32
    %dma_wait3A_111 = tpu.memref_slice %arg10[%dma_wait3A_109, %dma_wait3A_110] : memref<512x128xf32, #tpu.memory_space<vmem>> -> memref<256x128xf32, #tpu.memory_space<vmem>>
    %dma_wait3A_112 = arith.constant 0 : i32
    %dma_wait3A_113 = tpu.memref_slice %arg6[%add3A_70, %dma_wait3A_112] : memref<8192x128xf32, #tpu.memory_space<hbm>> -> memref<256x128xf32, #tpu.memory_space<hbm>>
    %dma_wait3A_114 = arith.constant 0 : i32
    %dma_wait3A_115 = tpu.memref_slice %arg6[%add3A_70, %dma_wait3A_114] : memref<8192x128xf32, #tpu.memory_space<hbm>> -> memref<256x128xf32, #tpu.memory_space<hbm>>
    %dma_wait3A_116 = arith.constant 0 : i32
    %dma_wait3A_117 = arith.constant 0 : i32
    %dma_wait3A_118 = tpu.memref_slice %arg10[%dma_wait3A_116, %dma_wait3A_117] : memref<512x128xf32, #tpu.memory_space<vmem>> -> memref<256x128xf32, #tpu.memory_space<vmem>>
    tpu.wait_dma2 semaphore(%arg12 : memref<!tpu.dma_semaphore, #tpu.memory_space<semaphore_mem>>) src(%dma_wait3A_118 : memref<256x128xf32, #tpu.memory_space<vmem>>) dst(%dma_wait3A_115 : memref<256x128xf32, #tpu.memory_space<hbm>>)
    %dma_wait3A_119 = arith.constant 256 : i32
    %dma_wait3A_120 = arith.constant 0 : i32
    %dma_wait3A_121 = tpu.memref_slice %arg10[%dma_wait3A_119, %dma_wait3A_120] : memref<512x128xf32, #tpu.memory_space<vmem>> -> memref<256x128xf32, #tpu.memory_space<vmem>>
    %dma_wait3A_122 = arith.constant 0 : i32
    %dma_wait3A_123 = tpu.memref_slice %arg7[%add3A_98, %dma_wait3A_122] : memref<8192x128xf32, #tpu.memory_space<hbm>> -> memref<256x128xf32, #tpu.memory_space<hbm>>
    %dma_wait3A_124 = arith.constant 0 : i32
    %dma_wait3A_125 = tpu.memref_slice %arg7[%add3A_98, %dma_wait3A_124] : memref<8192x128xf32, #tpu.memory_space<hbm>> -> memref<256x128xf32, #tpu.memory_space<hbm>>
    %dma_wait3A_126 = arith.constant 256 : i32
    %dma_wait3A_127 = arith.constant 0 : i32
    %dma_wait3A_128 = tpu.memref_slice %arg10[%dma_wait3A_126, %dma_wait3A_127] : memref<512x128xf32, #tpu.memory_space<vmem>> -> memref<256x128xf32, #tpu.memory_space<vmem>>
    tpu.wait_dma2 semaphore(%arg12 : memref<!tpu.dma_semaphore, #tpu.memory_space<semaphore_mem>>) src(%dma_wait3A_128 : memref<256x128xf32, #tpu.memory_space<vmem>>) dst(%dma_wait3A_125 : memref<256x128xf32, #tpu.memory_space<hbm>>)
    return
  }
}

#map = affine_map<(d0, d1) -> (0, 0)>
#map1 = affine_map<(d0, d1) -> (0)>
module attributes {stable_mosaic.version = 14 : i64} {
  func.func @_sc_gather_body(%arg0: i32, %arg1: i32, %arg2: memref<1000000x128xf32, #tpu.memory_space<hbm>>, %arg3: memref<100000x128xf32, #tpu.memory_space<hbm>>, %arg4: memref<16384xi32, #tpu.memory_space<hbm>>, %arg5: memref<16384xi32, #tpu.memory_space<hbm>>, %arg6: memref<8192x128xf32, #tpu.memory_space<hbm>>, %arg7: memref<8192x128xf32, #tpu.memory_space<hbm>>, %arg8: memref<256xi32, #tpu.memory_space<vmem>>, %arg9: memref<256xi32, #tpu.memory_space<vmem>>, %arg10: memref<512x128xf32, #tpu.memory_space<vmem>>, %arg11: memref<!tpu.dma_semaphore, #tpu.memory_space<semaphore_mem>>, %arg12: memref<!tpu.dma_semaphore, #tpu.memory_space<semaphore_mem>>) attributes {dimension_semantics = [#tpu.dimension_semantics<core_parallel>, #tpu.dimension_semantics<subcore_parallel>], iteration_bounds = array<i64: 2, 16>, scalar_prefetch = 0 : i64, scratch_operands = 5 : i64, tpu.core_type = #tpu.core_type<sc_vector_subcore>, window_params = [{transform_indices = #map}, {transform_indices = #map}, {transform_indices = #map1}, {transform_indices = #map1}, {transform_indices = #map}, {transform_indices = #map}]} {
    %mul3A = arith.constant 2 : i32
    %mul3A_0 = arith.muli %arg1, %mul3A : i32
    %add3A = arith.addi %mul3A_0, %arg0 : i32
    %mul3A_1 = arith.constant 256 : i32
    %mul3A_2 = arith.muli %add3A, %mul3A_1 : i32
    %add3A_3 = arith.constant 0 : i32
    %add3A_4 = arith.addi %add3A_3, %mul3A_2 : i32
    %dma_start3A = tpu.memref_slice %arg4[%add3A_4] : memref<16384xi32, #tpu.memory_space<hbm>> -> memref<256xi32, #tpu.memory_space<hbm>>
    %dma_start3A_5 = tpu.memref_slice %arg4[%add3A_4] : memref<16384xi32, #tpu.memory_space<hbm>> -> memref<256xi32, #tpu.memory_space<hbm>>
    tpu.enqueue_dma source(%dma_start3A_5 : memref<256xi32, #tpu.memory_space<hbm>>) target(%arg8 : memref<256xi32, #tpu.memory_space<vmem>>) target_semaphore(%arg11 : memref<!tpu.dma_semaphore, #tpu.memory_space<semaphore_mem>>)
    %add3A_6 = arith.constant 0 : i32
    %add3A_7 = arith.addi %add3A_6, %mul3A_2 : i32
    %dma_start3A_8 = tpu.memref_slice %arg5[%add3A_7] : memref<16384xi32, #tpu.memory_space<hbm>> -> memref<256xi32, #tpu.memory_space<hbm>>
    %dma_start3A_9 = tpu.memref_slice %arg5[%add3A_7] : memref<16384xi32, #tpu.memory_space<hbm>> -> memref<256xi32, #tpu.memory_space<hbm>>
    tpu.enqueue_dma source(%dma_start3A_9 : memref<256xi32, #tpu.memory_space<hbm>>) target(%arg9 : memref<256xi32, #tpu.memory_space<vmem>>) target_semaphore(%arg12 : memref<!tpu.dma_semaphore, #tpu.memory_space<semaphore_mem>>)
    %dma_wait3A = tpu.memref_slice %arg4[%add3A_4] : memref<16384xi32, #tpu.memory_space<hbm>> -> memref<256xi32, #tpu.memory_space<hbm>>
    %dma_wait3A_10 = tpu.memref_slice %arg4[%add3A_4] : memref<16384xi32, #tpu.memory_space<hbm>> -> memref<256xi32, #tpu.memory_space<hbm>>
    tpu.wait_dma2 semaphore(%arg11 : memref<!tpu.dma_semaphore, #tpu.memory_space<semaphore_mem>>) src(%dma_wait3A_10 : memref<256xi32, #tpu.memory_space<hbm>>) dst(%arg8 : memref<256xi32, #tpu.memory_space<vmem>>)
    %add3A_11 = arith.constant 0 : i32
    %add3A_12 = arith.addi %mul3A_2, %add3A_11 : i32
    %dma_start3A_13 = arith.constant 0 : i32
    %dma_start3A_14 = arith.constant 0 : i32
    %dma_start3A_15 = tpu.memref_slice %arg10[%dma_start3A_13, %dma_start3A_14] : memref<512x128xf32, #tpu.memory_space<vmem>> -> memref<128x128xf32, #tpu.memory_space<vmem>>
    %dma_start3A_16 = arith.constant 0 : i32
    %dma_start3A_17 = tpu.memref_slice %arg8[%dma_start3A_16] : memref<256xi32, #tpu.memory_space<vmem>> -> memref<128xi32, #tpu.memory_space<vmem>>
    %dma_start3A_18 = arith.constant 0 : i32
    %dma_start3A_19 = arith.constant 0 : i32
    %dma_start3A_20 = tpu.memref_slice %arg2[%dma_start3A_18, %dma_start3A_19] : memref<1000000x128xf32, #tpu.memory_space<hbm>> -> memref<1000000x128xf32, #tpu.memory_space<hbm>>
    tpu.enqueue_indirect_dma source(%dma_start3A_20 : memref<1000000x128xf32, #tpu.memory_space<hbm>>) target(%dma_start3A_15 : memref<128x128xf32, #tpu.memory_space<vmem>>) offsets(%dma_start3A_17 : memref<128xi32, #tpu.memory_space<vmem>>) semaphore(%arg11 : memref<!tpu.dma_semaphore, #tpu.memory_space<semaphore_mem>>)
    %add3A_21 = arith.constant 128 : i32
    %add3A_22 = arith.addi %mul3A_2, %add3A_21 : i32
    %dma_start3A_23 = arith.constant 128 : i32
    %dma_start3A_24 = arith.constant 0 : i32
    %dma_start3A_25 = tpu.memref_slice %arg10[%dma_start3A_23, %dma_start3A_24] : memref<512x128xf32, #tpu.memory_space<vmem>> -> memref<128x128xf32, #tpu.memory_space<vmem>>
    %dma_start3A_26 = arith.constant 128 : i32
    %dma_start3A_27 = tpu.memref_slice %arg8[%dma_start3A_26] : memref<256xi32, #tpu.memory_space<vmem>> -> memref<128xi32, #tpu.memory_space<vmem>>
    %dma_start3A_28 = arith.constant 0 : i32
    %dma_start3A_29 = arith.constant 0 : i32
    %dma_start3A_30 = tpu.memref_slice %arg2[%dma_start3A_28, %dma_start3A_29] : memref<1000000x128xf32, #tpu.memory_space<hbm>> -> memref<1000000x128xf32, #tpu.memory_space<hbm>>
    tpu.enqueue_indirect_dma source(%dma_start3A_30 : memref<1000000x128xf32, #tpu.memory_space<hbm>>) target(%dma_start3A_25 : memref<128x128xf32, #tpu.memory_space<vmem>>) offsets(%dma_start3A_27 : memref<128xi32, #tpu.memory_space<vmem>>) semaphore(%arg11 : memref<!tpu.dma_semaphore, #tpu.memory_space<semaphore_mem>>)
    %dma_wait3A_31 = tpu.memref_slice %arg5[%add3A_7] : memref<16384xi32, #tpu.memory_space<hbm>> -> memref<256xi32, #tpu.memory_space<hbm>>
    %dma_wait3A_32 = tpu.memref_slice %arg5[%add3A_7] : memref<16384xi32, #tpu.memory_space<hbm>> -> memref<256xi32, #tpu.memory_space<hbm>>
    tpu.wait_dma2 semaphore(%arg12 : memref<!tpu.dma_semaphore, #tpu.memory_space<semaphore_mem>>) src(%dma_wait3A_32 : memref<256xi32, #tpu.memory_space<hbm>>) dst(%arg9 : memref<256xi32, #tpu.memory_space<vmem>>)
    %add3A_33 = arith.constant 0 : i32
    %add3A_34 = arith.addi %mul3A_2, %add3A_33 : i32
    %dma_start3A_35 = arith.constant 256 : i32
    %dma_start3A_36 = arith.constant 0 : i32
    %dma_start3A_37 = tpu.memref_slice %arg10[%dma_start3A_35, %dma_start3A_36] : memref<512x128xf32, #tpu.memory_space<vmem>> -> memref<128x128xf32, #tpu.memory_space<vmem>>
    %dma_start3A_38 = arith.constant 0 : i32
    %dma_start3A_39 = tpu.memref_slice %arg9[%dma_start3A_38] : memref<256xi32, #tpu.memory_space<vmem>> -> memref<128xi32, #tpu.memory_space<vmem>>
    %dma_start3A_40 = arith.constant 0 : i32
    %dma_start3A_41 = arith.constant 0 : i32
    %dma_start3A_42 = tpu.memref_slice %arg3[%dma_start3A_40, %dma_start3A_41] : memref<100000x128xf32, #tpu.memory_space<hbm>> -> memref<100000x128xf32, #tpu.memory_space<hbm>>
    tpu.enqueue_indirect_dma source(%dma_start3A_42 : memref<100000x128xf32, #tpu.memory_space<hbm>>) target(%dma_start3A_37 : memref<128x128xf32, #tpu.memory_space<vmem>>) offsets(%dma_start3A_39 : memref<128xi32, #tpu.memory_space<vmem>>) semaphore(%arg11 : memref<!tpu.dma_semaphore, #tpu.memory_space<semaphore_mem>>)
    %add3A_43 = arith.constant 128 : i32
    %add3A_44 = arith.addi %mul3A_2, %add3A_43 : i32
    %dma_start3A_45 = arith.constant 384 : i32
    %dma_start3A_46 = arith.constant 0 : i32
    %dma_start3A_47 = tpu.memref_slice %arg10[%dma_start3A_45, %dma_start3A_46] : memref<512x128xf32, #tpu.memory_space<vmem>> -> memref<128x128xf32, #tpu.memory_space<vmem>>
    %dma_start3A_48 = arith.constant 128 : i32
    %dma_start3A_49 = tpu.memref_slice %arg9[%dma_start3A_48] : memref<256xi32, #tpu.memory_space<vmem>> -> memref<128xi32, #tpu.memory_space<vmem>>
    %dma_start3A_50 = arith.constant 0 : i32
    %dma_start3A_51 = arith.constant 0 : i32
    %dma_start3A_52 = tpu.memref_slice %arg3[%dma_start3A_50, %dma_start3A_51] : memref<100000x128xf32, #tpu.memory_space<hbm>> -> memref<100000x128xf32, #tpu.memory_space<hbm>>
    tpu.enqueue_indirect_dma source(%dma_start3A_52 : memref<100000x128xf32, #tpu.memory_space<hbm>>) target(%dma_start3A_47 : memref<128x128xf32, #tpu.memory_space<vmem>>) offsets(%dma_start3A_49 : memref<128xi32, #tpu.memory_space<vmem>>) semaphore(%arg11 : memref<!tpu.dma_semaphore, #tpu.memory_space<semaphore_mem>>)
    %dma_wait3A_53 = arith.constant 0 : i32
    %dma_wait3A_54 = arith.constant 0 : i32
    %dma_wait3A_55 = tpu.memref_slice %arg10[%dma_wait3A_53, %dma_wait3A_54] : memref<512x128xf32, #tpu.memory_space<vmem>> -> memref<128x128xf32, #tpu.memory_space<vmem>>
    %dma_wait3A_56 = arith.constant 0 : i32
    %dma_wait3A_57 = tpu.memref_slice %arg8[%dma_wait3A_56] : memref<256xi32, #tpu.memory_space<vmem>> -> memref<128xi32, #tpu.memory_space<vmem>>
    %dma_wait3A_58 = arith.constant 0 : i32
    %dma_wait3A_59 = arith.constant 0 : i32
    %dma_wait3A_60 = tpu.memref_slice %arg2[%dma_wait3A_58, %dma_wait3A_59] : memref<1000000x128xf32, #tpu.memory_space<hbm>> -> memref<1000000x128xf32, #tpu.memory_space<hbm>>
    tpu.wait_indirect_dma semaphore(%arg11 : memref<!tpu.dma_semaphore, #tpu.memory_space<semaphore_mem>>) src(%dma_wait3A_60 : memref<1000000x128xf32, #tpu.memory_space<hbm>>) dst(%dma_wait3A_55 : memref<128x128xf32, #tpu.memory_space<vmem>>)
    %dma_wait3A_61 = arith.constant 128 : i32
    %dma_wait3A_62 = arith.constant 0 : i32
    %dma_wait3A_63 = tpu.memref_slice %arg10[%dma_wait3A_61, %dma_wait3A_62] : memref<512x128xf32, #tpu.memory_space<vmem>> -> memref<128x128xf32, #tpu.memory_space<vmem>>
    %dma_wait3A_64 = arith.constant 128 : i32
    %dma_wait3A_65 = tpu.memref_slice %arg8[%dma_wait3A_64] : memref<256xi32, #tpu.memory_space<vmem>> -> memref<128xi32, #tpu.memory_space<vmem>>
    %dma_wait3A_66 = arith.constant 0 : i32
    %dma_wait3A_67 = arith.constant 0 : i32
    %dma_wait3A_68 = tpu.memref_slice %arg2[%dma_wait3A_66, %dma_wait3A_67] : memref<1000000x128xf32, #tpu.memory_space<hbm>> -> memref<1000000x128xf32, #tpu.memory_space<hbm>>
    tpu.wait_indirect_dma semaphore(%arg11 : memref<!tpu.dma_semaphore, #tpu.memory_space<semaphore_mem>>) src(%dma_wait3A_68 : memref<1000000x128xf32, #tpu.memory_space<hbm>>) dst(%dma_wait3A_63 : memref<128x128xf32, #tpu.memory_space<vmem>>)
    %add3A_69 = arith.constant 0 : i32
    %add3A_70 = arith.addi %mul3A_2, %add3A_69 : i32
    %dma_start3A_71 = arith.constant 0 : i32
    %dma_start3A_72 = arith.constant 0 : i32
    %dma_start3A_73 = tpu.memref_slice %arg10[%dma_start3A_71, %dma_start3A_72] : memref<512x128xf32, #tpu.memory_space<vmem>> -> memref<256x128xf32, #tpu.memory_space<vmem>>
    %dma_start3A_74 = arith.constant 0 : i32
    %dma_start3A_75 = tpu.memref_slice %arg6[%add3A_70, %dma_start3A_74] : memref<8192x128xf32, #tpu.memory_space<hbm>> -> memref<256x128xf32, #tpu.memory_space<hbm>>
    %dma_start3A_76 = arith.constant 0 : i32
    %dma_start3A_77 = tpu.memref_slice %arg6[%add3A_70, %dma_start3A_76] : memref<8192x128xf32, #tpu.memory_space<hbm>> -> memref<256x128xf32, #tpu.memory_space<hbm>>
    %dma_start3A_78 = arith.constant 0 : i32
    %dma_start3A_79 = arith.constant 0 : i32
    %dma_start3A_80 = tpu.memref_slice %arg10[%dma_start3A_78, %dma_start3A_79] : memref<512x128xf32, #tpu.memory_space<vmem>> -> memref<256x128xf32, #tpu.memory_space<vmem>>
    tpu.enqueue_dma source(%dma_start3A_80 : memref<256x128xf32, #tpu.memory_space<vmem>>) target(%dma_start3A_77 : memref<256x128xf32, #tpu.memory_space<hbm>>) target_semaphore(%arg12 : memref<!tpu.dma_semaphore, #tpu.memory_space<semaphore_mem>>)
    %dma_wait3A_81 = arith.constant 256 : i32
    %dma_wait3A_82 = arith.constant 0 : i32
    %dma_wait3A_83 = tpu.memref_slice %arg10[%dma_wait3A_81, %dma_wait3A_82] : memref<512x128xf32, #tpu.memory_space<vmem>> -> memref<128x128xf32, #tpu.memory_space<vmem>>
    %dma_wait3A_84 = arith.constant 0 : i32
    %dma_wait3A_85 = tpu.memref_slice %arg9[%dma_wait3A_84] : memref<256xi32, #tpu.memory_space<vmem>> -> memref<128xi32, #tpu.memory_space<vmem>>
    %dma_wait3A_86 = arith.constant 0 : i32
    %dma_wait3A_87 = arith.constant 0 : i32
    %dma_wait3A_88 = tpu.memref_slice %arg3[%dma_wait3A_86, %dma_wait3A_87] : memref<100000x128xf32, #tpu.memory_space<hbm>> -> memref<100000x128xf32, #tpu.memory_space<hbm>>
    tpu.wait_indirect_dma semaphore(%arg11 : memref<!tpu.dma_semaphore, #tpu.memory_space<semaphore_mem>>) src(%dma_wait3A_88 : memref<100000x128xf32, #tpu.memory_space<hbm>>) dst(%dma_wait3A_83 : memref<128x128xf32, #tpu.memory_space<vmem>>)
    %dma_wait3A_89 = arith.constant 384 : i32
    %dma_wait3A_90 = arith.constant 0 : i32
    %dma_wait3A_91 = tpu.memref_slice %arg10[%dma_wait3A_89, %dma_wait3A_90] : memref<512x128xf32, #tpu.memory_space<vmem>> -> memref<128x128xf32, #tpu.memory_space<vmem>>
    %dma_wait3A_92 = arith.constant 128 : i32
    %dma_wait3A_93 = tpu.memref_slice %arg9[%dma_wait3A_92] : memref<256xi32, #tpu.memory_space<vmem>> -> memref<128xi32, #tpu.memory_space<vmem>>
    %dma_wait3A_94 = arith.constant 0 : i32
    %dma_wait3A_95 = arith.constant 0 : i32
    %dma_wait3A_96 = tpu.memref_slice %arg3[%dma_wait3A_94, %dma_wait3A_95] : memref<100000x128xf32, #tpu.memory_space<hbm>> -> memref<100000x128xf32, #tpu.memory_space<hbm>>
    tpu.wait_indirect_dma semaphore(%arg11 : memref<!tpu.dma_semaphore, #tpu.memory_space<semaphore_mem>>) src(%dma_wait3A_96 : memref<100000x128xf32, #tpu.memory_space<hbm>>) dst(%dma_wait3A_91 : memref<128x128xf32, #tpu.memory_space<vmem>>)
    %add3A_97 = arith.constant 0 : i32
    %add3A_98 = arith.addi %mul3A_2, %add3A_97 : i32
    %dma_start3A_99 = arith.constant 256 : i32
    %dma_start3A_100 = arith.constant 0 : i32
    %dma_start3A_101 = tpu.memref_slice %arg10[%dma_start3A_99, %dma_start3A_100] : memref<512x128xf32, #tpu.memory_space<vmem>> -> memref<256x128xf32, #tpu.memory_space<vmem>>
    %dma_start3A_102 = arith.constant 0 : i32
    %dma_start3A_103 = tpu.memref_slice %arg7[%add3A_98, %dma_start3A_102] : memref<8192x128xf32, #tpu.memory_space<hbm>> -> memref<256x128xf32, #tpu.memory_space<hbm>>
    %dma_start3A_104 = arith.constant 0 : i32
    %dma_start3A_105 = tpu.memref_slice %arg7[%add3A_98, %dma_start3A_104] : memref<8192x128xf32, #tpu.memory_space<hbm>> -> memref<256x128xf32, #tpu.memory_space<hbm>>
    %dma_start3A_106 = arith.constant 256 : i32
    %dma_start3A_107 = arith.constant 0 : i32
    %dma_start3A_108 = tpu.memref_slice %arg10[%dma_start3A_106, %dma_start3A_107] : memref<512x128xf32, #tpu.memory_space<vmem>> -> memref<256x128xf32, #tpu.memory_space<vmem>>
    tpu.enqueue_dma source(%dma_start3A_108 : memref<256x128xf32, #tpu.memory_space<vmem>>) target(%dma_start3A_105 : memref<256x128xf32, #tpu.memory_space<hbm>>) target_semaphore(%arg12 : memref<!tpu.dma_semaphore, #tpu.memory_space<semaphore_mem>>)
    %dma_wait3A_109 = arith.constant 0 : i32
    %dma_wait3A_110 = arith.constant 0 : i32
    %dma_wait3A_111 = tpu.memref_slice %arg10[%dma_wait3A_109, %dma_wait3A_110] : memref<512x128xf32, #tpu.memory_space<vmem>> -> memref<256x128xf32, #tpu.memory_space<vmem>>
    %dma_wait3A_112 = arith.constant 0 : i32
    %dma_wait3A_113 = tpu.memref_slice %arg6[%add3A_70, %dma_wait3A_112] : memref<8192x128xf32, #tpu.memory_space<hbm>> -> memref<256x128xf32, #tpu.memory_space<hbm>>
    %dma_wait3A_114 = arith.constant 0 : i32
    %dma_wait3A_115 = tpu.memref_slice %arg6[%add3A_70, %dma_wait3A_114] : memref<8192x128xf32, #tpu.memory_space<hbm>> -> memref<256x128xf32, #tpu.memory_space<hbm>>
    %dma_wait3A_116 = arith.constant 0 : i32
    %dma_wait3A_117 = arith.constant 0 : i32
    %dma_wait3A_118 = tpu.memref_slice %arg10[%dma_wait3A_116, %dma_wait3A_117] : memref<512x128xf32, #tpu.memory_space<vmem>> -> memref<256x128xf32, #tpu.memory_space<vmem>>
    tpu.wait_dma2 semaphore(%arg12 : memref<!tpu.dma_semaphore, #tpu.memory_space<semaphore_mem>>) src(%dma_wait3A_118 : memref<256x128xf32, #tpu.memory_space<vmem>>) dst(%dma_wait3A_115 : memref<256x128xf32, #tpu.memory_space<hbm>>)
    %dma_wait3A_119 = arith.constant 256 : i32
    %dma_wait3A_120 = arith.constant 0 : i32
    %dma_wait3A_121 = tpu.memref_slice %arg10[%dma_wait3A_119, %dma_wait3A_120] : memref<512x128xf32, #tpu.memory_space<vmem>> -> memref<256x128xf32, #tpu.memory_space<vmem>>
    %dma_wait3A_122 = arith.constant 0 : i32
    %dma_wait3A_123 = tpu.memref_slice %arg7[%add3A_98, %dma_wait3A_122] : memref<8192x128xf32, #tpu.memory_space<hbm>> -> memref<256x128xf32, #tpu.memory_space<hbm>>
    %dma_wait3A_124 = arith.constant 0 : i32
    %dma_wait3A_125 = tpu.memref_slice %arg7[%add3A_98, %dma_wait3A_124] : memref<8192x128xf32, #tpu.memory_space<hbm>> -> memref<256x128xf32, #tpu.memory_space<hbm>>
    %dma_wait3A_126 = arith.constant 256 : i32
    %dma_wait3A_127 = arith.constant 0 : i32
    %dma_wait3A_128 = tpu.memref_slice %arg10[%dma_wait3A_126, %dma_wait3A_127] : memref<512x128xf32, #tpu.memory_space<vmem>> -> memref<256x128xf32, #tpu.memory_space<vmem>>
    tpu.wait_dma2 semaphore(%arg12 : memref<!tpu.dma_semaphore, #tpu.memory_space<semaphore_mem>>) src(%dma_wait3A_128 : memref<256x128xf32, #tpu.memory_space<vmem>>) dst(%dma_wait3A_125 : memref<256x128xf32, #tpu.memory_space<hbm>>)
    return
  }
}

module attributes {stable_mosaic.version = 14 : i64} {
  func.func @_mlp_body(%arg0: i32, %arg1: memref<4096x128xf32, #tpu.memory_space<vmem>>, %arg2: memref<4096x128xf32, #tpu.memory_space<vmem>>, %arg3: memref<256x128xf32, #tpu.memory_space<vmem>>, %arg4: memref<128xf32, #tpu.memory_space<vmem>>, %arg5: memref<128x64xf32, #tpu.memory_space<vmem>>, %arg6: memref<64xf32, #tpu.memory_space<vmem>>, %arg7: memref<64x16xf32, #tpu.memory_space<vmem>>, %arg8: memref<16x1xf32, #tpu.memory_space<vmem>>, %arg9: memref<16x1xf32, #tpu.memory_space<vmem>>, %arg10: memref<1xf32, #tpu.memory_space<vmem>>, %arg11: memref<16384xf32, #tpu.memory_space<any>>, %arg12: memref<4096xf32, #tpu.memory_space<vmem>>) attributes {dimension_semantics = [#tpu.dimension_semantics<arbitrary>], iteration_bounds = array<i64: 2>, scalar_prefetch = 0 : i64, scratch_operands = 0 : i64, tpu.core_type = #tpu.core_type<tc>, window_params = [{transform_indices = @transform_0, window_bounds = array<i64: 4096, 128>}, {transform_indices = @transform_1, window_bounds = array<i64: 4096, 128>}, {pipeline_mode = #tpu.pipeline_mode<synchronous>, transform_indices = @transform_2, window_bounds = array<i64: 256, 128>}, {pipeline_mode = #tpu.pipeline_mode<synchronous>, transform_indices = @transform_3, window_bounds = array<i64: 128>}, {pipeline_mode = #tpu.pipeline_mode<synchronous>, transform_indices = @transform_4, window_bounds = array<i64: 128, 64>}, {pipeline_mode = #tpu.pipeline_mode<synchronous>, transform_indices = @transform_5, window_bounds = array<i64: 64>}, {pipeline_mode = #tpu.pipeline_mode<synchronous>, transform_indices = @transform_6, window_bounds = array<i64: 64, 16>}, {pipeline_mode = #tpu.pipeline_mode<synchronous>, transform_indices = @transform_7, window_bounds = array<i64: 16, 1>}, {pipeline_mode = #tpu.pipeline_mode<synchronous>, transform_indices = @transform_8, window_bounds = array<i64: 16, 1>}, {pipeline_mode = #tpu.pipeline_mode<synchronous>, transform_indices = @transform_9, window_bounds = array<i64: 1>}, {}, {transform_indices = @transform_11, window_bounds = array<i64: 4096>}]} {
    %get3A = arith.constant 0 : index
    %get3A_0 = arith.constant 0 : index
    %get3A_1 = vector.load %arg3[%get3A, %get3A_0] : memref<256x128xf32, #tpu.memory_space<vmem>>, vector<256x128xf32>
    %get3A_2 = arith.constant 0 : index
    %get3A_3 = arith.constant 0 : index
    %get3A_4 = vector.load %arg1[%get3A_2, %get3A_3] : memref<4096x128xf32, #tpu.memory_space<vmem>>, vector<4096x128xf32>
    %slice3A = vector.extract_strided_slice %get3A_1 {offsets = [0, 0], sizes = [128, 128], strides = [1, 1]} : vector<256x128xf32> to vector<128x128xf32>
    %dot_general3A = arith.constant dense<0.000000e+00> : vector<4096x128xf32>
    %dot_general3A_5 = tpu.matmul %get3A_4, %slice3A, %dot_general3A {dimension_numbers = #tpu.dot_dimension_numbers<[1], [0], [0], [1], [0, 0, 1, 1], [], []>, transpose_lhs_hint = false} : vector<4096x128xf32>, vector<128x128xf32>, vector<4096x128xf32> -> vector<4096x128xf32>
    %get3A_6 = arith.constant 0 : index
    %get3A_7 = arith.constant 0 : index
    %get3A_8 = vector.load %arg2[%get3A_6, %get3A_7] : memref<4096x128xf32, #tpu.memory_space<vmem>>, vector<4096x128xf32>
    %slice3A_9 = vector.extract_strided_slice %get3A_1 {offsets = [128, 0], sizes = [128, 128], strides = [1, 1]} : vector<256x128xf32> to vector<128x128xf32>
    %dot_general3A_10 = arith.constant dense<0.000000e+00> : vector<4096x128xf32>
    %dot_general3A_11 = tpu.matmul %get3A_8, %slice3A_9, %dot_general3A_10 {dimension_numbers = #tpu.dot_dimension_numbers<[1], [0], [0], [1], [0, 0, 1, 1], [], []>, transpose_lhs_hint = false} : vector<4096x128xf32>, vector<128x128xf32>, vector<4096x128xf32> -> vector<4096x128xf32>
    %add3A = arith.addf %dot_general3A_5, %dot_general3A_11 : vector<4096x128xf32>
    %get3A_12 = arith.constant 0 : index
    %get3A_13 = vector.load %arg4[%get3A_12] : memref<128xf32, #tpu.memory_space<vmem>>, vector<128xf32>
    %broadcast_in_dim3A = vector.shape_cast %get3A_13 : vector<128xf32> to vector<1x128xf32>
    %add3A_14 = vector.broadcast %broadcast_in_dim3A : vector<1x128xf32> to vector<4096x128xf32>
    %add3A_15 = arith.addf %add3A, %add3A_14 : vector<4096x128xf32>
    %max3A = arith.constant 0.000000e+00 : f32
    %max3A_16 = vector.broadcast %max3A : f32 to vector<4096x128xf32>
    %max3A_17 = arith.maximumf %add3A_15, %max3A_16 : vector<4096x128xf32>
    %get3A_18 = arith.constant 0 : index
    %get3A_19 = arith.constant 0 : index
    %get3A_20 = vector.load %arg5[%get3A_18, %get3A_19] : memref<128x64xf32, #tpu.memory_space<vmem>>, vector<128x64xf32>
    %dot_general3A_21 = arith.constant dense<0.000000e+00> : vector<4096x64xf32>
    %dot_general3A_22 = tpu.matmul %max3A_17, %get3A_20, %dot_general3A_21 {dimension_numbers = #tpu.dot_dimension_numbers<[1], [0], [0], [1], [0, 0, 1, 1], [], []>, transpose_lhs_hint = false} : vector<4096x128xf32>, vector<128x64xf32>, vector<4096x64xf32> -> vector<4096x64xf32>
    %get3A_23 = arith.constant 0 : index
    %get3A_24 = vector.load %arg6[%get3A_23] : memref<64xf32, #tpu.memory_space<vmem>>, vector<64xf32>
    %broadcast_in_dim3A_25 = vector.shape_cast %get3A_24 : vector<64xf32> to vector<1x64xf32>
    %add3A_26 = vector.broadcast %broadcast_in_dim3A_25 : vector<1x64xf32> to vector<4096x64xf32>
    %add3A_27 = arith.addf %dot_general3A_22, %add3A_26 : vector<4096x64xf32>
    %max3A_28 = arith.constant 0.000000e+00 : f32
    %max3A_29 = vector.broadcast %max3A_28 : f32 to vector<4096x64xf32>
    %max3A_30 = arith.maximumf %add3A_27, %max3A_29 : vector<4096x64xf32>
    %get3A_31 = arith.constant 0 : index
    %get3A_32 = arith.constant 0 : index
    %get3A_33 = vector.load %arg7[%get3A_31, %get3A_32] : memref<64x16xf32, #tpu.memory_space<vmem>>, vector<64x16xf32>
    %dot_general3A_34 = arith.constant dense<0.000000e+00> : vector<16x4096xf32>
    %dot_general3A_35 = tpu.matmul %get3A_33, %max3A_30, %dot_general3A_34 {dimension_numbers = #tpu.dot_dimension_numbers<[0], [1], [1], [0], [0, 1, 1, 0], [], []>, transpose_lhs_hint = false} : vector<64x16xf32>, vector<4096x64xf32>, vector<16x4096xf32> -> vector<16x4096xf32>
    %get3A_36 = arith.constant 0 : index
    %get3A_37 = arith.constant 0 : index
    %get3A_38 = vector.load %arg8[%get3A_36, %get3A_37] : memref<16x1xf32, #tpu.memory_space<vmem>>, vector<16x1xf32>
    %add3A_39 = vector.broadcast %get3A_38 : vector<16x1xf32> to vector<16x4096xf32>
    %add3A_40 = arith.addf %dot_general3A_35, %add3A_39 : vector<16x4096xf32>
    %max3A_41 = arith.constant 0.000000e+00 : f32
    %max3A_42 = vector.broadcast %max3A_41 : f32 to vector<16x4096xf32>
    %max3A_43 = arith.maximumf %add3A_40, %max3A_42 : vector<16x4096xf32>
    %get3A_44 = arith.constant 0 : index
    %get3A_45 = arith.constant 0 : index
    %get3A_46 = vector.load %arg9[%get3A_44, %get3A_45] : memref<16x1xf32, #tpu.memory_space<vmem>>, vector<16x1xf32>
    %mul3A = vector.broadcast %get3A_46 : vector<16x1xf32> to vector<16x4096xf32>
    %mul3A_47 = arith.mulf %max3A_43, %mul3A : vector<16x4096xf32>
    %reduce_sum3A = arith.constant dense<0.000000e+00> : vector<4096xf32>
    %reduce_sum3A_48 = vector.multi_reduction <add>, %mul3A_47, %reduce_sum3A [0] : vector<16x4096xf32> to vector<4096xf32>
    %get3A_49 = arith.constant 0 : index
    %get3A_50 = vector.load %arg10[%get3A_49] : memref<1xf32, #tpu.memory_space<vmem>>, vector<1xf32>
    %get3A_51 = vector.extract %get3A_50[0] : f32 from vector<1xf32>
    %add3A_52 = vector.broadcast %get3A_51 : f32 to vector<4096xf32>
    %add3A_53 = arith.addf %reduce_sum3A_48, %add3A_52 : vector<4096xf32>
    %neg3A = arith.constant 0.000000e+00 : f32
    %neg3A_54 = vector.broadcast %neg3A : f32 to vector<4096xf32>
    %neg3A_55 = arith.subf %neg3A_54, %add3A_53 : vector<4096xf32>
    %exp3A = math.exp %neg3A_55 : vector<4096xf32>
    %add3A_56 = arith.constant 1.000000e+00 : f32
    %add3A_57 = vector.broadcast %add3A_56 : f32 to vector<4096xf32>
    %add3A_58 = arith.addf %add3A_57, %exp3A : vector<4096xf32>
    %div3A = arith.constant 1.000000e+00 : f32
    %div3A_59 = vector.broadcast %div3A : f32 to vector<4096xf32>
    %div3A_60 = arith.divf %div3A_59, %add3A_58 : vector<4096xf32>
    %swap3A = arith.constant 0 : index
    %swap3A_61 = vector.load %arg12[%swap3A] : memref<4096xf32, #tpu.memory_space<vmem>>, vector<4096xf32>
    tpu.vector_store %arg12[%swap3A], %div3A_60 {strides = array<i32>} : memref<4096xf32, #tpu.memory_space<vmem>>, vector<4096xf32>,
    return
  }
  func.func @transform_0(%arg0: i32) -> (i32, i32) {
    %c0_i32 = arith.constant 0 : i32
    %c0_i32_0 = arith.constant 0 : i32
    return %arg0, %c0_i32 : i32, i32
  }
  func.func @transform_1(%arg0: i32) -> (i32, i32) {
    %c0_i32 = arith.constant 0 : i32
    %c0_i32_0 = arith.constant 0 : i32
    return %arg0, %c0_i32 : i32, i32
  }
  func.func @transform_2(%arg0: i32) -> (i32, i32) {
    %c0_i32 = arith.constant 0 : i32
    %c0_i32_0 = arith.constant 0 : i32
    %c0_i32_1 = arith.constant 0 : i32
    return %c0_i32, %c0_i32_0 : i32, i32
  }
  func.func @transform_3(%arg0: i32) -> i32 {
    %c0_i32 = arith.constant 0 : i32
    %c0_i32_0 = arith.constant 0 : i32
    return %c0_i32 : i32
  }
  func.func @transform_4(%arg0: i32) -> (i32, i32) {
    %c0_i32 = arith.constant 0 : i32
    %c0_i32_0 = arith.constant 0 : i32
    %c0_i32_1 = arith.constant 0 : i32
    return %c0_i32, %c0_i32_0 : i32, i32
  }
  func.func @transform_5(%arg0: i32) -> i32 {
    %c0_i32 = arith.constant 0 : i32
    %c0_i32_0 = arith.constant 0 : i32
    return %c0_i32 : i32
  }
  func.func @transform_6(%arg0: i32) -> (i32, i32) {
    %c0_i32 = arith.constant 0 : i32
    %c0_i32_0 = arith.constant 0 : i32
    %c0_i32_1 = arith.constant 0 : i32
    return %c0_i32, %c0_i32_0 : i32, i32
  }
  func.func @transform_7(%arg0: i32) -> (i32, i32) {
    %c0_i32 = arith.constant 0 : i32
    %c0_i32_0 = arith.constant 0 : i32
    %c0_i32_1 = arith.constant 0 : i32
    return %c0_i32, %c0_i32_0 : i32, i32
  }
  func.func @transform_8(%arg0: i32) -> (i32, i32) {
    %c0_i32 = arith.constant 0 : i32
    %c0_i32_0 = arith.constant 0 : i32
    %c0_i32_1 = arith.constant 0 : i32
    return %c0_i32, %c0_i32_0 : i32, i32
  }
  func.func @transform_9(%arg0: i32) -> i32 {
    %c0_i32 = arith.constant 0 : i32
    %c0_i32_0 = arith.constant 0 : i32
    return %c0_i32 : i32
  }
  func.func @transform_11(%arg0: i32) -> i32 {
    %add3A = arith.constant 2 : i32
    %add3A_0 = arith.addi %add3A, %arg0 : i32
    %c0_i32 = arith.constant 0 : i32
    return %add3A_0 : i32
  }
}

module attributes {stable_mosaic.version = 14 : i64} {
  func.func @_mlp_body(%arg0: i32, %arg1: memref<4096x128xf32, #tpu.memory_space<vmem>>, %arg2: memref<4096x128xf32, #tpu.memory_space<vmem>>, %arg3: memref<256x128xf32, #tpu.memory_space<vmem>>, %arg4: memref<128xf32, #tpu.memory_space<vmem>>, %arg5: memref<128x64xf32, #tpu.memory_space<vmem>>, %arg6: memref<64xf32, #tpu.memory_space<vmem>>, %arg7: memref<64x16xf32, #tpu.memory_space<vmem>>, %arg8: memref<16x1xf32, #tpu.memory_space<vmem>>, %arg9: memref<16x1xf32, #tpu.memory_space<vmem>>, %arg10: memref<1xf32, #tpu.memory_space<vmem>>, %arg11: memref<4096xf32, #tpu.memory_space<vmem>>) attributes {dimension_semantics = [#tpu.dimension_semantics<arbitrary>], iteration_bounds = array<i64: 2>, scalar_prefetch = 0 : i64, scratch_operands = 0 : i64, tpu.core_type = #tpu.core_type<tc>, window_params = [{transform_indices = @transform_0, window_bounds = array<i64: 4096, 128>}, {transform_indices = @transform_1, window_bounds = array<i64: 4096, 128>}, {pipeline_mode = #tpu.pipeline_mode<synchronous>, transform_indices = @transform_2, window_bounds = array<i64: 256, 128>}, {pipeline_mode = #tpu.pipeline_mode<synchronous>, transform_indices = @transform_3, window_bounds = array<i64: 128>}, {pipeline_mode = #tpu.pipeline_mode<synchronous>, transform_indices = @transform_4, window_bounds = array<i64: 128, 64>}, {pipeline_mode = #tpu.pipeline_mode<synchronous>, transform_indices = @transform_5, window_bounds = array<i64: 64>}, {pipeline_mode = #tpu.pipeline_mode<synchronous>, transform_indices = @transform_6, window_bounds = array<i64: 64, 16>}, {pipeline_mode = #tpu.pipeline_mode<synchronous>, transform_indices = @transform_7, window_bounds = array<i64: 16, 1>}, {pipeline_mode = #tpu.pipeline_mode<synchronous>, transform_indices = @transform_8, window_bounds = array<i64: 16, 1>}, {pipeline_mode = #tpu.pipeline_mode<synchronous>, transform_indices = @transform_9, window_bounds = array<i64: 1>}, {transform_indices = @transform_10, window_bounds = array<i64: 4096>}]} {
    %get3A = arith.constant 0 : index
    %get3A_0 = arith.constant 0 : index
    %get3A_1 = vector.load %arg3[%get3A, %get3A_0] : memref<256x128xf32, #tpu.memory_space<vmem>>, vector<256x128xf32>
    %get3A_2 = arith.constant 0 : index
    %get3A_3 = arith.constant 0 : index
    %get3A_4 = vector.load %arg1[%get3A_2, %get3A_3] : memref<4096x128xf32, #tpu.memory_space<vmem>>, vector<4096x128xf32>
    %slice3A = vector.extract_strided_slice %get3A_1 {offsets = [0, 0], sizes = [128, 128], strides = [1, 1]} : vector<256x128xf32> to vector<128x128xf32>
    %dot_general3A = arith.constant dense<0.000000e+00> : vector<4096x128xf32>
    %dot_general3A_5 = tpu.matmul %get3A_4, %slice3A, %dot_general3A {dimension_numbers = #tpu.dot_dimension_numbers<[1], [0], [0], [1], [0, 0, 1, 1], [], []>, transpose_lhs_hint = false} : vector<4096x128xf32>, vector<128x128xf32>, vector<4096x128xf32> -> vector<4096x128xf32>
    %get3A_6 = arith.constant 0 : index
    %get3A_7 = arith.constant 0 : index
    %get3A_8 = vector.load %arg2[%get3A_6, %get3A_7] : memref<4096x128xf32, #tpu.memory_space<vmem>>, vector<4096x128xf32>
    %slice3A_9 = vector.extract_strided_slice %get3A_1 {offsets = [128, 0], sizes = [128, 128], strides = [1, 1]} : vector<256x128xf32> to vector<128x128xf32>
    %dot_general3A_10 = arith.constant dense<0.000000e+00> : vector<4096x128xf32>
    %dot_general3A_11 = tpu.matmul %get3A_8, %slice3A_9, %dot_general3A_10 {dimension_numbers = #tpu.dot_dimension_numbers<[1], [0], [0], [1], [0, 0, 1, 1], [], []>, transpose_lhs_hint = false} : vector<4096x128xf32>, vector<128x128xf32>, vector<4096x128xf32> -> vector<4096x128xf32>
    %add3A = arith.addf %dot_general3A_5, %dot_general3A_11 : vector<4096x128xf32>
    %get3A_12 = arith.constant 0 : index
    %get3A_13 = vector.load %arg4[%get3A_12] : memref<128xf32, #tpu.memory_space<vmem>>, vector<128xf32>
    %broadcast_in_dim3A = vector.shape_cast %get3A_13 : vector<128xf32> to vector<1x128xf32>
    %add3A_14 = vector.broadcast %broadcast_in_dim3A : vector<1x128xf32> to vector<4096x128xf32>
    %add3A_15 = arith.addf %add3A, %add3A_14 : vector<4096x128xf32>
    %max3A = arith.constant 0.000000e+00 : f32
    %max3A_16 = vector.broadcast %max3A : f32 to vector<4096x128xf32>
    %max3A_17 = arith.maximumf %add3A_15, %max3A_16 : vector<4096x128xf32>
    %get3A_18 = arith.constant 0 : index
    %get3A_19 = arith.constant 0 : index
    %get3A_20 = vector.load %arg5[%get3A_18, %get3A_19] : memref<128x64xf32, #tpu.memory_space<vmem>>, vector<128x64xf32>
    %dot_general3A_21 = arith.constant dense<0.000000e+00> : vector<4096x64xf32>
    %dot_general3A_22 = tpu.matmul %max3A_17, %get3A_20, %dot_general3A_21 {dimension_numbers = #tpu.dot_dimension_numbers<[1], [0], [0], [1], [0, 0, 1, 1], [], []>, transpose_lhs_hint = false} : vector<4096x128xf32>, vector<128x64xf32>, vector<4096x64xf32> -> vector<4096x64xf32>
    %get3A_23 = arith.constant 0 : index
    %get3A_24 = vector.load %arg6[%get3A_23] : memref<64xf32, #tpu.memory_space<vmem>>, vector<64xf32>
    %broadcast_in_dim3A_25 = vector.shape_cast %get3A_24 : vector<64xf32> to vector<1x64xf32>
    %add3A_26 = vector.broadcast %broadcast_in_dim3A_25 : vector<1x64xf32> to vector<4096x64xf32>
    %add3A_27 = arith.addf %dot_general3A_22, %add3A_26 : vector<4096x64xf32>
    %max3A_28 = arith.constant 0.000000e+00 : f32
    %max3A_29 = vector.broadcast %max3A_28 : f32 to vector<4096x64xf32>
    %max3A_30 = arith.maximumf %add3A_27, %max3A_29 : vector<4096x64xf32>
    %get3A_31 = arith.constant 0 : index
    %get3A_32 = arith.constant 0 : index
    %get3A_33 = vector.load %arg7[%get3A_31, %get3A_32] : memref<64x16xf32, #tpu.memory_space<vmem>>, vector<64x16xf32>
    %dot_general3A_34 = arith.constant dense<0.000000e+00> : vector<16x4096xf32>
    %dot_general3A_35 = tpu.matmul %get3A_33, %max3A_30, %dot_general3A_34 {dimension_numbers = #tpu.dot_dimension_numbers<[0], [1], [1], [0], [0, 1, 1, 0], [], []>, transpose_lhs_hint = false} : vector<64x16xf32>, vector<4096x64xf32>, vector<16x4096xf32> -> vector<16x4096xf32>
    %get3A_36 = arith.constant 0 : index
    %get3A_37 = arith.constant 0 : index
    %get3A_38 = vector.load %arg8[%get3A_36, %get3A_37] : memref<16x1xf32, #tpu.memory_space<vmem>>, vector<16x1xf32>
    %add3A_39 = vector.broadcast %get3A_38 : vector<16x1xf32> to vector<16x4096xf32>
    %add3A_40 = arith.addf %dot_general3A_35, %add3A_39 : vector<16x4096xf32>
    %max3A_41 = arith.constant 0.000000e+00 : f32
    %max3A_42 = vector.broadcast %max3A_41 : f32 to vector<16x4096xf32>
    %max3A_43 = arith.maximumf %add3A_40, %max3A_42 : vector<16x4096xf32>
    %get3A_44 = arith.constant 0 : index
    %get3A_45 = arith.constant 0 : index
    %get3A_46 = vector.load %arg9[%get3A_44, %get3A_45] : memref<16x1xf32, #tpu.memory_space<vmem>>, vector<16x1xf32>
    %mul3A = vector.broadcast %get3A_46 : vector<16x1xf32> to vector<16x4096xf32>
    %mul3A_47 = arith.mulf %max3A_43, %mul3A : vector<16x4096xf32>
    %reduce_sum3A = arith.constant dense<0.000000e+00> : vector<4096xf32>
    %reduce_sum3A_48 = vector.multi_reduction <add>, %mul3A_47, %reduce_sum3A [0] : vector<16x4096xf32> to vector<4096xf32>
    %get3A_49 = arith.constant 0 : index
    %get3A_50 = vector.load %arg10[%get3A_49] : memref<1xf32, #tpu.memory_space<vmem>>, vector<1xf32>
    %get3A_51 = vector.extract %get3A_50[0] : f32 from vector<1xf32>
    %add3A_52 = vector.broadcast %get3A_51 : f32 to vector<4096xf32>
    %add3A_53 = arith.addf %reduce_sum3A_48, %add3A_52 : vector<4096xf32>
    %neg3A = arith.constant 0.000000e+00 : f32
    %neg3A_54 = vector.broadcast %neg3A : f32 to vector<4096xf32>
    %neg3A_55 = arith.subf %neg3A_54, %add3A_53 : vector<4096xf32>
    %exp3A = math.exp %neg3A_55 : vector<4096xf32>
    %add3A_56 = arith.constant 1.000000e+00 : f32
    %add3A_57 = vector.broadcast %add3A_56 : f32 to vector<4096xf32>
    %add3A_58 = arith.addf %add3A_57, %exp3A : vector<4096xf32>
    %div3A = arith.constant 1.000000e+00 : f32
    %div3A_59 = vector.broadcast %div3A : f32 to vector<4096xf32>
    %div3A_60 = arith.divf %div3A_59, %add3A_58 : vector<4096xf32>
    %swap3A = arith.constant 0 : index
    %swap3A_61 = vector.load %arg11[%swap3A] : memref<4096xf32, #tpu.memory_space<vmem>>, vector<4096xf32>
    tpu.vector_store %arg11[%swap3A], %div3A_60 {strides = array<i32>} : memref<4096xf32, #tpu.memory_space<vmem>>, vector<4096xf32>,
    return
  }
  func.func @transform_0(%arg0: i32) -> (i32, i32) {
    %c0_i32 = arith.constant 0 : i32
    %c0_i32_0 = arith.constant 0 : i32
    return %arg0, %c0_i32 : i32, i32
  }
  func.func @transform_1(%arg0: i32) -> (i32, i32) {
    %c0_i32 = arith.constant 0 : i32
    %c0_i32_0 = arith.constant 0 : i32
    return %arg0, %c0_i32 : i32, i32
  }
  func.func @transform_2(%arg0: i32) -> (i32, i32) {
    %c0_i32 = arith.constant 0 : i32
    %c0_i32_0 = arith.constant 0 : i32
    %c0_i32_1 = arith.constant 0 : i32
    return %c0_i32, %c0_i32_0 : i32, i32
  }
  func.func @transform_3(%arg0: i32) -> i32 {
    %c0_i32 = arith.constant 0 : i32
    %c0_i32_0 = arith.constant 0 : i32
    return %c0_i32 : i32
  }
  func.func @transform_4(%arg0: i32) -> (i32, i32) {
    %c0_i32 = arith.constant 0 : i32
    %c0_i32_0 = arith.constant 0 : i32
    %c0_i32_1 = arith.constant 0 : i32
    return %c0_i32, %c0_i32_0 : i32, i32
  }
  func.func @transform_5(%arg0: i32) -> i32 {
    %c0_i32 = arith.constant 0 : i32
    %c0_i32_0 = arith.constant 0 : i32
    return %c0_i32 : i32
  }
  func.func @transform_6(%arg0: i32) -> (i32, i32) {
    %c0_i32 = arith.constant 0 : i32
    %c0_i32_0 = arith.constant 0 : i32
    %c0_i32_1 = arith.constant 0 : i32
    return %c0_i32, %c0_i32_0 : i32, i32
  }
  func.func @transform_7(%arg0: i32) -> (i32, i32) {
    %c0_i32 = arith.constant 0 : i32
    %c0_i32_0 = arith.constant 0 : i32
    %c0_i32_1 = arith.constant 0 : i32
    return %c0_i32, %c0_i32_0 : i32, i32
  }
  func.func @transform_8(%arg0: i32) -> (i32, i32) {
    %c0_i32 = arith.constant 0 : i32
    %c0_i32_0 = arith.constant 0 : i32
    %c0_i32_1 = arith.constant 0 : i32
    return %c0_i32, %c0_i32_0 : i32, i32
  }
  func.func @transform_9(%arg0: i32) -> i32 {
    %c0_i32 = arith.constant 0 : i32
    %c0_i32_0 = arith.constant 0 : i32
    return %c0_i32 : i32
  }
  func.func @transform_10(%arg0: i32) -> i32 {
    %add3A = arith.constant 0 : i32
    %add3A_0 = arith.addi %add3A, %arg0 : i32
    %c0_i32 = arith.constant 0 : i32
    return %add3A_0 : i32
  }
}

</mosaic_0001>

<sc_bundles>
// kernel: kernel.6.cloned.1.call-start
scs
__scs_entry_jumppad:
0x0: {  	(pc) =	sbr.rel $0x88, $3  }
0x1: {  	(tag) =	ssettag $0x0;
	lr =	simm.s32 $0x1  }
0x2: {  	[smem:$0x3F95] =	sst lr;
	_ =	strace $0xD0000000  }
0x3: {  	_ = 	snop  }
0x4: {  	_ = 	snop  }
0x5: {  	_ = 	snop  }
0x6: {  	_ = 	snop  }
0x7: {  	_ = 	snop  }
__scs_overlays_trampoline_lowered:
0x8: {  	[smem:$0x3FA4] =	sst s0  }
0x9: {  	[smem:$0x3FA5] =	sst s1  }
0xa: {  	[smem:$0x3FA6] =	sst s2  }
0xb: {  	[smem:$0x3FA7] =	sst s3  }
0xc: {  	[smem:$0x3FA8] =	sst s4  }
0xd: {  	[smem:$0x3FA9] =	sst s5  }
0xe: {  	[smem:$0x3FAA] =	sst s6  }
0xf: {  	[smem:$0x3FAB] =	sst s7  }
0x10: {  	[smem:$0x3FAC] =	sst s8  }
0x11: {  	[smem:$0x3FAD] =	sst s9;
	s0 =	simm.s32 @!p0 $0x0  }
0x12: {  	s1 =	sld [smem:$0x3F93];
	s0 =	simm.s32 @p0 $0x1  }
0x13: {  	[smem:$0x3FAE] =	sst s0;
	s0 =	simm.s32 @!p1 $0x0  }
0x14: {  	s2 =	sld [smem:$0x3F92];
	s0 =	simm.s32 @p1 $0x1  }
0x15: {  	[smem:$0x3FAF] =	sst s0;
	s0 =	simm.s32 @!p2 $0x0  }
0x16: {  	s3 =	sld [smem:$0x3FDB];
	s0 =	simm.s32 @p2 $0x1  }
0x17: {  	s4 =	simm.s32 $0x1BF5;
	[smem:$0x3FB1] =	sst s0  }
0x18: {  	s0 =	sld [smem:$0x3F94];
	_ =	swait.ge [sflag:s4], $0x0  }
0x19: {  	s7 =	sld [smem:$0x3F95]  }
0x1a: {  	s8 =	sadd.s32 $0xFFFFE003, lr  }
0x1b: {  	s9 =	sadd.s32 $0xFFFFFEF7, lr;
	s5 =	simm.s32 $0xFFFFFFFF;
	p2 =	slt.u32 s8, $0xFFFFF086  }
0x1c: {  	p1 =	slt.u32 s9, $0xF7A;
	s5 =	simm.s32 @!p2 $0x0  }
0x1d: {  	s5 =	simm.s32 @p1 $0x1;
	p0 =	seq.s32 s7, s2  }
0x1e: {  	s7 =	smul.u32 @!p0 $0xF7A, s2;
	p2 =	seq.s32 @!p0 s5, $0x0  }
0x1f: {  	s9 =	smul.u32 $0xF7A, s1;
	s8 =	simm.s32 @!p0 $0x1BF5;
	p2 =	por !p2, p0  }
0x20: {  	[sflag:s8] =	ssyncset.s32 @!p0 $0xFFFFF086;
	s6 =	sadd.s32 @!p0 s3, s7;
	s7 =	simm.s32 @!p0 $0x108  }
0x21: {  	s3 =	sadd.s32 s3, s9;
	s6 =	sadd.s32 @!p0 $0x88, s6;
	s7 =	simm.s32 @p2 $0x1082  }
0x22: {  	[simem:s7], [sflag:s8] =	dma.local @!p0 [hbm:s6], $0xF7A  }
0x23: {  	s9 =	sor.u32 $0xD0000000, s2;
	s6 =	simm.s32 $0x108;
	_ =	swait.ge @!p0 [sflag:s8], $0x0  }
0x24: {  	s3 =	sadd.s32 $0x88, s3;
	s6 =	simm.s32 @!p1 $0x1082;
	[sflag:s4] =	ssyncset.s32 $0xFFFFF086  }
0x25: {  	[simem:s6], [sflag:s4] =	dma.local [hbm:s3], $0xF7A  }
0x26: {  	[smem:$0x3F95] =	sst s1;
	(tag) =	ssettag s2;
	_ =	strace s9  }
0x27: {  	s1 =	sld [smem:$0x3FA5]  }
0x28: {  	s2 =	sld [smem:$0x3FA6]  }
0x29: {  	s4 =	sld [smem:$0x3FA8]  }
0x2a: {  	p0 =	seq.s32 s5, $0x0;
	s5 =	sld [smem:$0x3FA9]  }
0x2b: {  	s6 =	sld [smem:$0x3FAA]  }
0x2c: {  	s7 =	sld [smem:$0x3FAB]  }
0x2d: {  	s3 =	simm.s32 $0x108;
	s8 =	sld [smem:$0x3FAC]  }
0x2e: {  	s3 =	simm.s32 @!p0 $0x1082;
	s9 =	sld [smem:$0x3FAD]  }
0x2f: {  	lr =	sadd.s32 s0, s3;
	s0 =	sld [smem:$0x3FA4]  }
0x30: {  	s3 =	sld [smem:$0x3FA7]  }
0x31: {  	[smem:$0x3FB0] =	sst s10  }
0x32: {  	s10 =	sld [smem:$0x3FAE];
	_ =	sdelay $0x3  }
0x33: {  	p0 =	seq.s32 s10, $0x1;
	s10 =	sld [smem:$0x3FB0];
	_ =	sdelay $0x3  }
0x34: {  	[smem:$0x3FB0] =	sst s10  }
0x35: {  	s10 =	sld [smem:$0x3FAF];
	_ =	sdelay $0x3  }
0x36: {  	p1 =	seq.s32 s10, $0x1;
	s10 =	sld [smem:$0x3FB0];
	_ =	sdelay $0x3  }
0x37: {  	[smem:$0x3FB0] =	sst s10  }
0x38: {  	s10 =	sld [smem:$0x3FB1]  }
0x39: {  	_ = 	snop;
	(pc) =	sbr.ind lr, $3  }
0x3a: {  	_ = 	snop  }
0x3b: {  	_ = 	snop  }
0x3c: {  	p2 =	seq.s32 s10, $0x1;
	s10 =	sld [smem:$0x3FB0]  }
0x3d: {  	_ =	shalt  }
0x3e: {  	_ =	shalt  }
0x3f: {  	_ =	shalt  }
0x40: {  	_ =	shalt  }
0x41: {  	_ =	shalt  }
0x42: {  	_ =	shalt  }
0x43: {  	_ =	shalt  }
0x44: {  	_ =	shalt  }
0x45: {  	_ =	shalt  }
0x46: {  	_ =	shalt  }
0x47: {  	_ =	shalt  }
0x48: {  	_ =	shalt  }
0x49: {  	_ =	shalt  }
0x4a: {  	_ =	shalt  }
0x4b: {  	_ =	shalt  }
0x4c: {  	_ =	shalt  }
0x4d: {  	_ =	shalt  }
0x4e: {  	_ =	shalt  }
0x4f: {  	_ =	shalt  }
0x50: {  	_ =	shalt  }
0x51: {  	_ =	shalt  }
0x52: {  	_ =	shalt  }
0x53: {  	_ =	shalt  }
0x54: {  	_ =	shalt  }
0x55: {  	_ =	shalt  }
0x56: {  	_ =	shalt  }
0x57: {  	_ =	shalt  }
0x58: {  	_ =	shalt  }
0x59: {  	_ =	shalt  }
0x5a: {  	_ =	shalt  }
0x5b: {  	_ =	shalt  }
0x5c: {  	_ =	shalt  }
0x5d: {  	_ =	shalt  }
0x5e: {  	_ =	shalt  }
0x5f: {  	_ =	shalt  }
0x60: {  	_ =	shalt  }
0x61: {  	_ =	shalt  }
0x62: {  	_ =	shalt  }
0x63: {  	_ =	shalt  }
0x64: {  	_ =	shalt  }
0x65: {  	_ =	shalt  }
0x66: {  	_ =	shalt  }
0x67: {  	_ =	shalt  }
0x68: {  	_ =	shalt  }
0x69: {  	_ =	shalt  }
0x6a: {  	_ =	shalt  }
0x6b: {  	_ =	shalt  }
0x6c: {  	_ =	shalt  }
0x6d: {  	_ =	shalt  }
0x6e: {  	_ =	shalt  }
0x6f: {  	_ =	shalt  }
0x70: {  	_ =	shalt  }
0x71: {  	_ =	shalt  }
0x72: {  	_ =	shalt  }
0x73: {  	_ =	shalt  }
0x74: {  	_ =	shalt  }
0x75: {  	_ =	shalt  }
0x76: {  	_ =	shalt  }
0x77: {  	_ =	shalt  }
0x78: {  	_ =	shalt  }
0x79: {  	_ =	shalt  }
0x7a: {  	_ =	shalt  }
0x7b: {  	_ =	shalt  }
0x7c: {  	_ =	shalt  }
0x7d: {  	_ =	shalt  }
0x7e: {  	_ =	shalt  }
0x7f: {  	_ =	shalt  }
0x80: {  	_ =	shalt  }
0x81: {  	_ =	shalt  }
0x82: {  	_ =	shalt  }
0x83: {  	_ =	shalt  }
0x84: {  	_ =	shalt  }
0x85: {  	_ =	shalt  }
0x86: {  	_ =	shalt  }
0x87: {  	_ =	shalt  }
.Lfunc_end0:
.L_simem_size_0:
called_computation_lowered:
.L_overlay_start_0:
0x88: {  	s2 =	sld [smem:$0x3FD9]  }
0x89: {  	s3 =	sld [smem:$0x3FFE];
	_ =	sdelay $0x1  }
0x8a: {  	s1 =	srdreg.scid  }
0x8b: {  	s0 =	sand.u32 $0x1, s1  }
0x8c: {  	s17 =	sshll.u32 s0, $0xA;
	s2 =	sadd.s32 s3, s2  }
0x8d: {  	s2 =	sadd.s32 s2, s17  }
0x8e: {  	[smem:$0x3FBC] =	sst s2  }
0x8f: {  	_ = 	snop  }
0x90: {  	s2 =	sld [smem:$0x3FC9]  }
0x91: {  	s18 =	sld [smem:$0x3FC8]  }
0x92: {  	s4 =	sld [smem:$0x3FC7]  }
0x93: {  	s5 =	sld [smem:$0x3FC6];
	(tm) =	ssettm $0x1  }
0x94: {  	s6 =	sld [smem:$0x3FFB];
	_ =	sdelay $0x3  }
0x95: {  	_ =	strace s6  }
0x96: {  	s6 =	sld [smem:$0x3FFC];
	_ =	sdelay $0x3  }
0x97: {  	_ =	strace s6  }
0x98: {  	s6 =	sld [smem:$0x3FFD];
	_ =	sdelay $0x3  }
0x99: {  	_ =	strace s6  }
0x9a: {  	_ =	strace $0x8FFFFFFF  }
0x9b: {  	s19 =	sld [smem:$0x3FDB];
	_ =	sdelay $0x1  }
0x9c: {  	s7 =	simm.s32 $_scs_section_size  }
0x9d: {  	s8 =	simm.s32 $_size__tile_overlayer_lowered;
	s9 =	simm.s32 $_tile_overlayer_lowered  }
0x9e: {  	s22 =	simm.s32 $0x1BFF;
	s21 =	sshll.u32 s9, $0x1;
	s6 =	sadd.s32 s7, s19  }
0x9f: {  	s10 =	simm.s32 $0x0;
	s20 =	sshll.u32 s8, $0x1;
	s8 =	sadd.s32 s21, s6  }
0xa0: {  	[timem:s10], [sflag:s22] =	dma.local [hbm:s8], s20  }
0xa1: {  	_ =	swait.ge [sflag:s22], s20  }
0xa2: {  	s7 =	ssub.s32 $0x0, s20;
	[sflag:s22] =	ssyncset.done $0x0  }
0xa3: {  	[sflag:s22] =	ssyncadd.s32 s7;
	_ =	sdelay $0x1  }
0xa4: {  	s23 =	simm.s32 $0x1B8B  }
0xa5: {  	_ =	swait.ge [sflag:s23], $0x1  }
0xa6: {  	[sflag:s23] =	ssyncset.done $0x0  }
0xa7: {  	s25 =	simm.s32 $0x1B8E;
	s24 =	sld [smem:$0x3FFE];
	[sflag:s23] =	ssyncadd.s32 $0xFFFFFFFF  }
0xa8: {  	s26 =	simm.s32 $execute0_lowered;
	[smem:$0x3FD2] =	sst s25  }
0xa9: {  	s8 =	sshll.u32 s26, $0x1;
	_ =	strace $0x80000046;
	[dreg:$0x1] =	wrdreg $0xFFFFFFFF  }
0xaa: {  	s28 =	simm.s32 $_size_execute0_lowered;
	s6 =	sadd.s32 s6, s8;
	[dreg:$0x0] =	wrdreg $0x0  }
0xab: {  	s8 =	sshll.u32 s28, $0x1;
	[dreg:$0x2] =	wrdreg s6  }
0xac: {  	[dreg:$0x3] =	wrdreg s8  }
0xad: {  	[dreg:$0x4] =	wrdreg $0xC0  }
0xae: {  	_ =	task [dreg:s10], $0x5FFFF  }
0xaf: {  	[dreg:$0x1] =	wrdreg $0xFFFFFFFF  }
0xb0: {  	[dreg:$0x0] =	wrdreg $0x60  }
0xb1: {  	[dreg:$0x2] =	wrdreg s4  }
0xb2: {  	[dreg:$0x3] =	wrdreg s5  }
0xb3: {  	[dreg:$0x4] =	wrdreg s2  }
0xb4: {  	[dreg:$0x5] =	wrdreg s18  }
0xb5: {  	[dreg:$0x6] =	wrdreg s24  }
0xb6: {  	[dreg:$0x7] =	wrdreg $0x9  }
0xb7: {  	_ =	task.clear_ibuf [dreg:s10], $0x8FFFF;
	_ =	strace $0x90000046  }
0xb8: {  	s29 =	simm.s32 $0x9;
	_ =	strace $0x80000048  }
0xb9: {  	_ =	swait.ge [sflag:s29], $0x1  }
0xba: {  	[sflag:s29] =	ssyncadd.s32 $0xFFFFFFFF  }
0xbb: {  	_ =	strace $0x90000048  }
0xbc: {  	_ =	sfence  }
0xbd: {  	s30 =	sld [smem:$0x0];
	_ =	sdelay $0x2  }
0xbe: {  	s31 =	sshll.u32 s1, $0xD;
	s1 =	sshrl.u32 s1, $0x2  }
0xbf: {  	s3 =	sand.u32 $0x4000, s31;
	s1 =	sadd.s32 s1, s30  }
0xc0: {  	s0 =	sor.u32 s3, s0;
	s1 =	sshll.u32 s1, $0x11  }
0xc1: {  	s0 =	sor.u32 s1, s0  }
0xc2: {  	s0 =	sadd.s32 $0x8F2B, s0  }
0xc3: {  	[sflag:s0] =	ssyncadd.remote.s32 $0x1  }
0xc4: {  	_ =	sfence.sel $0xFFFF  }
0xc5: {  	[dreg:$0x0] =	wrdreg $0xFFFFFFFF;
	(pc) =	sbr.abs _section_cstart, $3  }
0xc6: {  	[dreg:$0x1] =	wrdreg $0xFFFFFFFF  }
0xc7: {  	_ =	task.clear_ibuf [dreg:s10], $0x2FFFF;
	_ =	strace $0x9FFFFFFF  }
0xc8: {  	(tm) =	ssettm $0x7FFFFFFF  }
0xc9: {  	_ =	shalt  }
tec
execute0_lowered:
.L_overlay_start_1:
0x0: {  	(tag) =	ssettag $0x1  }
0x1: {  	s1 =	rddreg [dreg:$0x0]  }
0x2: {  	s2 =	rddreg [dreg:$0x1];
	s3 =	srdreg.scid  }
0x3: {  	s5 =	rddreg [dreg:$0x2];
	s0 =	stileid.u32;
	s17 =	sand.u32 $0x1, s3  }
0x4: {  	s6 =	rddreg [dreg:$0x3];
	s7 =	sshll.u32 s0, $0x9;
	s8 =	sshll.u32 s17, $0x8  }
0x5: {  	s16 =	rddreg [dreg:$0x4];
	s4 =	simm.s32 $0x0;
	s18 =	sor.u32 s8, s7  }
0x6: {  	[smem:$0x7FF] =	sst s4;
	s7 =	sshrl.u32 s18, $0x3  }
0x7: {  	s3 =	rddreg [dreg:$0x5];
	_ =	strace $0x80000047;
	s5 =	sadd.s32 s5, s7  }
0x8: {  	[tilespmem:s4], [sflag:$0x1] =	stream.linear.gather [hbm4b:s5+s4], $0x100, $0x38;
	[tilespmem:$0x10200] =	vst v63  }
0x9: {  	s8 =	simm.s32 $0x1;
	s6 =	sadd.s32 s6, s7;
	s7 =	simm.s32 $0x100  }
0xa: {  	[tilespmem:s7], [sflag:$0x2] =	stream.linear.gather [hbm4b:s6+s4], $0x100, $0x38;
	[tilespmem:$0x10200] =	vst v63  }
0xb: {  	_ =	swait.ge [sflag:s8], $0x100  }
0xc: {  	[sflag:s8] =	ssyncset.done $0x0  }
0xd: {  	s9 =	simm.s32 $0x80;
	s10 =	simm.s32 $0x200;
	[sflag:s8] =	ssyncadd.s32 $0xFFFFFF00  }
0xe: {  	[tilespmem:s10], [sflag:$0x1] =	stream.indirect.gather [hbm4b:s1+s9], $0x80, s4, s9, $0xb8;
	[tilespmem:$0x10200] =	vst v63  }
0xf: {  	s12 =	simm.s32 $0x4200;
	s11 =	simm.s32 $0x2  }
0x10: {  	[tilespmem:s12], [sflag:$0x1] =	stream.indirect.gather [hbm4b:s1+s9], $0x80, s9, s9, $0xb8;
	[tilespmem:$0x10200] =	vst v63  }
0x11: {  	_ =	swait.ge [sflag:s11], $0x100  }
0x12: {  	[sflag:s11] =	ssyncset.done $0x0  }
0x13: {  	s13 =	simm.s32 $0x8200;
	[sflag:s11] =	ssyncadd.s32 $0xFFFFFF00  }
0x14: {  	[tilespmem:s13], [sflag:$0x1] =	stream.indirect.gather [hbm4b:s2+s9], $0x80, s7, s9, $0xb8;
	[tilespmem:$0x10200] =	vst v63  }
0x15: {  	s14 =	simm.s32 $0x180;
	s15 =	simm.s32 $0xC200  }
0x16: {  	[tilespmem:s15], [sflag:$0x1] =	stream.indirect.gather [hbm4b:s2+s9], $0x80, s14, s9, $0xb8;
	[tilespmem:$0x10200] =	vst v63  }
0x17: {  	_ =	swait.ge [sflag:s8], $0x4000  }
0x18: {  	[sflag:s8] =	ssyncset.done $0x0  }
0x19: {  	[sflag:s8] =	ssyncadd.s32 $0xFFFFC000  }
0x1a: {  	s18 =	sshll.u32 s18, $0x4;
	_ =	swait.ge [sflag:s8], $0x4000  }
0x1b: {  	s18 =	sadd.s32 s18, s16;
	[sflag:s8] =	ssyncset.done $0x0  }
0x1c: {  	s16 =	sadd.s32 $0x2600, s18;
	[sflag:s8] =	ssyncadd.s32 $0xFFFFC000  }
0x1d: {  	[hbm4b:s16+s4] =	stream.linear.scatter [tilespmem:s10], [sflag:$0x2], $0x8000, $0x38;
	[tilespmem:$0x10200] =	vst v63  }
0x1e: {  	_ =	swait.ge [sflag:s8], $0x4000  }
0x1f: {  	s19 =	ssub.s32 $0x2, s17;
	[sflag:s8] =	ssyncset.done $0x0  }
0x20: {  	s31 =	sshrl.u32 s19, $0x1;
	[sflag:s8] =	ssyncadd.s32 $0xFFFFC000  }
0x21: {  	s17 =	sadd.s32 $0x22600, s18;
	s18 =	ssub.s32 s19, s31;
	_ =	swait.ge [sflag:s8], $0x4000  }
0x22: {  	s18 =	smax.u32 s18, $0x1;
	[sflag:s8] =	ssyncset.done $0x0  }
0x23: {  	p0 =	sne.s32 s18, $0x1;
	[sflag:s8] =	ssyncadd.s32 $0xFFFFC000  }
0x24: {  	[hbm4b:s17+s4] =	stream.linear.scatter [tilespmem:s13], [sflag:$0x2], $0x8000, $0x38;
	[tilespmem:$0x10200] =	vst v63  }
.Ltmp0:
0x25: {  	_ =	swait.ge [sflag:s11], $0x8000;
	(pc) =	sbr.rel @!p0 .LBB2_2-.Ltmp0, $4  }
0x26: {  	[sflag:s11] =	ssyncset.done $0x0  }
0x27: {  	[sflag:s11] =	ssyncadd.s32 $0xFFFF8000  }
0x28: {  	_ =	swait.ge [sflag:s11], $0x8000  }
0x29: {  	s18 =	sadd.s32 $0xFFFFFFFF, s18;
	[sflag:s11] =	ssyncset.done $0x0  }
.LBB2_1:
0x2a: {  	p0 =	sne.s32 s18, $0x1;
	s18 =	sadd.s32 $0xFFFFFFFF, s18;
	[sflag:s11] =	ssyncadd.s32 $0xFFFF8000  }
0x2b: {  	[tilespmem:s4], [sflag:$0x1] =	stream.linear.gather [hbm4b:s5+s4], $0x100, $0x38;
	[tilespmem:$0x10200] =	vst v63  }
0x2c: {  	_ = 	snop  }
0x2d: {  	[tilespmem:s7], [sflag:$0x2] =	stream.linear.gather [hbm4b:s6+s4], $0x100, $0x38;
	[tilespmem:$0x10200] =	vst v63  }
0x2e: {  	_ =	swait.ge [sflag:s8], $0x100  }
0x2f: {  	[sflag:s8] =	ssyncset.done $0x0  }
0x30: {  	[sflag:s8] =	ssyncadd.s32 $0xFFFFFF00  }
0x31: {  	[tilespmem:s10], [sflag:$0x1] =	stream.indirect.gather [hbm4b:s1+s9], $0x80, s4, s9, $0xb8;
	[tilespmem:$0x10200] =	vst v63  }
0x32: {  	_ = 	snop  }
0x33: {  	[tilespmem:s12], [sflag:$0x1] =	stream.indirect.gather [hbm4b:s1+s9], $0x80, s9, s9, $0xb8;
	[tilespmem:$0x10200] =	vst v63  }
0x34: {  	_ =	swait.ge [sflag:s11], $0x100  }
0x35: {  	[sflag:s11] =	ssyncset.done $0x0  }
0x36: {  	[sflag:s11] =	ssyncadd.s32 $0xFFFFFF00  }
0x37: {  	[tilespmem:s13], [sflag:$0x1] =	stream.indirect.gather [hbm4b:s2+s9], $0x80, s7, s9, $0xb8;
	[tilespmem:$0x10200] =	vst v63  }
0x38: {  	_ = 	snop  }
0x39: {  	[tilespmem:s15], [sflag:$0x1] =	stream.indirect.gather [hbm4b:s2+s9], $0x80, s14, s9, $0xb8;
	[tilespmem:$0x10200] =	vst v63  }
0x3a: {  	_ =	swait.ge [sflag:s8], $0x4000  }
0x3b: {  	[sflag:s8] =	ssyncset.done $0x0  }
0x3c: {  	[sflag:s8] =	ssyncadd.s32 $0xFFFFC000  }
0x3d: {  	_ =	swait.ge [sflag:s8], $0x4000  }
0x3e: {  	[sflag:s8] =	ssyncset.done $0x0  }
0x3f: {  	[sflag:s8] =	ssyncadd.s32 $0xFFFFC000  }
0x40: {  	[hbm4b:s16+s4] =	stream.linear.scatter [tilespmem:s10], [sflag:$0x2], $0x8000, $0x38;
	[tilespmem:$0x10200] =	vst v63  }
0x41: {  	_ =	swait.ge [sflag:s8], $0x4000  }
0x42: {  	[sflag:s8] =	ssyncset.done $0x0  }
0x43: {  	[sflag:s8] =	ssyncadd.s32 $0xFFFFC000  }
0x44: {  	_ =	swait.ge [sflag:s8], $0x4000  }
0x45: {  	[sflag:s8] =	ssyncset.done $0x0  }
0x46: {  	[sflag:s8] =	ssyncadd.s32 $0xFFFFC000  }
0x47: {  	[hbm4b:s17+s4] =	stream.linear.scatter [tilespmem:s13], [sflag:$0x2], $0x8000, $0x38;
	[tilespmem:$0x10200] =	vst v63  }
.Ltmp1:
0x48: {  	_ =	swait.ge [sflag:s11], $0x8000;
	(pc) =	sbr.rel @p0 .LBB2_1-.Ltmp1, $4  }
0x49: {  	[sflag:s11] =	ssyncset.done $0x0  }
0x4a: {  	[sflag:s11] =	ssyncadd.s32 $0xFFFF8000  }
0x4b: {  	_ =	swait.ge [sflag:s11], $0x8000  }
0x4c: {  	[sflag:s11] =	ssyncset.done $0x0  }
.LBB2_2:
0x4d: {  	[sflag:s11] =	ssyncadd.s32 $0xFFFF8000  }
0x4e: {  	_ =	sfence.sel $0x180000  }
0x4f: {  	[bflag:$0x0] =	sbarrier.arrive $0xFFFF  }
0x50: {  	p0 =	sne.s32 s0, $0x0;
	_ =	strace $0x90000047  }
0x51: {  	s0 =	sadd.s32 @!p0 $0x100000, s3;
	[bflag:$0x2] =	sbarrier.arrive $0xFFFF  }
0x52: {  	[sflag:s0] =	ssyncadd.tile.s32 @!p0 $0x1;
	_ =	shalt  }
.Lfunc_end2:
_tile_overlayer_lowered:
.L_overlay_start_2:
0x53: {  	(tag) =	ssettag $0x2  }
0x54: {  	s0 =	rddreg [dreg:$0x0];
	s2 =	stileid.u32  }
0x55: {  	s1 =	rddreg [dreg:$0x1];
	p0 =	sne.s32 s2, $0x0  }
0x56: {  	s3 =	rddreg [dreg:$0x2];
	[bflag:$0x3] =	sbarrier.arrive $0xFFFF;
	s2 =	simm.s32 @!p0 $0x1C03  }
0x57: {  	[timem:s3], [sflag:s2] =	dma.local @!p0 [hbm:s0], s1  }
0x58: {  	s0 =	simm.s32 @!p0 $0x3  }
0x59: {  	_ =	swait.ge @!p0 [sflag:s0], s1  }
0x5a: {  	s1 =	ssub.s32 @!p0 $0x0, s1;
	[sflag:s0] =	ssyncset.done @!p0 $0x0  }
0x5b: {  	[sflag:s0] =	ssyncadd.s32 @!p0 s1  }
0x5c: {  	[bflag:$0x3] =	sbarrier.arrive $0xFFFF  }
0x5d: {  	_ =	shalt  }

// kernel: kernel.9.cloned.1.call-start
scs
__scs_entry_jumppad:
0x0: {  	(pc) =	sbr.rel $0x88, $3  }
0x1: {  	(tag) =	ssettag $0x0;
	lr =	simm.s32 $0x1  }
0x2: {  	[smem:$0x3F95] =	sst lr;
	_ =	strace $0xD0000000  }
0x3: {  	_ = 	snop  }
0x4: {  	_ = 	snop  }
0x5: {  	_ = 	snop  }
0x6: {  	_ = 	snop  }
0x7: {  	_ = 	snop  }
__scs_overlays_trampoline_lowered:
0x8: {  	[smem:$0x3FA4] =	sst s0  }
0x9: {  	[smem:$0x3FA5] =	sst s1  }
0xa: {  	[smem:$0x3FA6] =	sst s2  }
0xb: {  	[smem:$0x3FA7] =	sst s3  }
0xc: {  	[smem:$0x3FA8] =	sst s4  }
0xd: {  	[smem:$0x3FA9] =	sst s5  }
0xe: {  	[smem:$0x3FAA] =	sst s6  }
0xf: {  	[smem:$0x3FAB] =	sst s7  }
0x10: {  	[smem:$0x3FAC] =	sst s8  }
0x11: {  	[smem:$0x3FAD] =	sst s9;
	s0 =	simm.s32 @!p0 $0x0  }
0x12: {  	s1 =	sld [smem:$0x3F93];
	s0 =	simm.s32 @p0 $0x1  }
0x13: {  	[smem:$0x3FAE] =	sst s0;
	s0 =	simm.s32 @!p1 $0x0  }
0x14: {  	s2 =	sld [smem:$0x3F92];
	s0 =	simm.s32 @p1 $0x1  }
0x15: {  	[smem:$0x3FAF] =	sst s0;
	s0 =	simm.s32 @!p2 $0x0  }
0x16: {  	s3 =	sld [smem:$0x3FDB];
	s0 =	simm.s32 @p2 $0x1  }
0x17: {  	s4 =	simm.s32 $0x1BF5;
	[smem:$0x3FB1] =	sst s0  }
0x18: {  	s0 =	sld [smem:$0x3F94];
	_ =	swait.ge [sflag:s4], $0x0  }
0x19: {  	s7 =	sld [smem:$0x3F95]  }
0x1a: {  	s8 =	sadd.s32 $0xFFFFE003, lr  }
0x1b: {  	s9 =	sadd.s32 $0xFFFFFEF7, lr;
	s5 =	simm.s32 $0xFFFFFFFF;
	p2 =	slt.u32 s8, $0xFFFFF086  }
0x1c: {  	p1 =	slt.u32 s9, $0xF7A;
	s5 =	simm.s32 @!p2 $0x0  }
0x1d: {  	s5 =	simm.s32 @p1 $0x1;
	p0 =	seq.s32 s7, s2  }
0x1e: {  	s7 =	smul.u32 @!p0 $0xF7A, s2;
	p2 =	seq.s32 @!p0 s5, $0x0  }
0x1f: {  	s9 =	smul.u32 $0xF7A, s1;
	s8 =	simm.s32 @!p0 $0x1BF5;
	p2 =	por !p2, p0  }
0x20: {  	[sflag:s8] =	ssyncset.s32 @!p0 $0xFFFFF086;
	s6 =	sadd.s32 @!p0 s3, s7;
	s7 =	simm.s32 @!p0 $0x108  }
0x21: {  	s3 =	sadd.s32 s3, s9;
	s6 =	sadd.s32 @!p0 $0x88, s6;
	s7 =	simm.s32 @p2 $0x1082  }
0x22: {  	[simem:s7], [sflag:s8] =	dma.local @!p0 [hbm:s6], $0xF7A  }
0x23: {  	s9 =	sor.u32 $0xD0000000, s2;
	s6 =	simm.s32 $0x108;
	_ =	swait.ge @!p0 [sflag:s8], $0x0  }
0x24: {  	s3 =	sadd.s32 $0x88, s3;
	s6 =	simm.s32 @!p1 $0x1082;
	[sflag:s4] =	ssyncset.s32 $0xFFFFF086  }
0x25: {  	[simem:s6], [sflag:s4] =	dma.local [hbm:s3], $0xF7A  }
0x26: {  	[smem:$0x3F95] =	sst s1;
	(tag) =	ssettag s2;
	_ =	strace s9  }
0x27: {  	s1 =	sld [smem:$0x3FA5]  }
0x28: {  	s2 =	sld [smem:$0x3FA6]  }
0x29: {  	s4 =	sld [smem:$0x3FA8]  }
0x2a: {  	p0 =	seq.s32 s5, $0x0;
	s5 =	sld [smem:$0x3FA9]  }
0x2b: {  	s6 =	sld [smem:$0x3FAA]  }
0x2c: {  	s7 =	sld [smem:$0x3FAB]  }
0x2d: {  	s3 =	simm.s32 $0x108;
	s8 =	sld [smem:$0x3FAC]  }
0x2e: {  	s3 =	simm.s32 @!p0 $0x1082;
	s9 =	sld [smem:$0x3FAD]  }
0x2f: {  	lr =	sadd.s32 s0, s3;
	s0 =	sld [smem:$0x3FA4]  }
0x30: {  	s3 =	sld [smem:$0x3FA7]  }
0x31: {  	[smem:$0x3FB0] =	sst s10  }
0x32: {  	s10 =	sld [smem:$0x3FAE];
	_ =	sdelay $0x3  }
0x33: {  	p0 =	seq.s32 s10, $0x1;
	s10 =	sld [smem:$0x3FB0];
	_ =	sdelay $0x3  }
0x34: {  	[smem:$0x3FB0] =	sst s10  }
0x35: {  	s10 =	sld [smem:$0x3FAF];
	_ =	sdelay $0x3  }
0x36: {  	p1 =	seq.s32 s10, $0x1;
	s10 =	sld [smem:$0x3FB0];
	_ =	sdelay $0x3  }
0x37: {  	[smem:$0x3FB0] =	sst s10  }
0x38: {  	s10 =	sld [smem:$0x3FB1]  }
0x39: {  	_ = 	snop;
	(pc) =	sbr.ind lr, $3  }
0x3a: {  	_ = 	snop  }
0x3b: {  	_ = 	snop  }
0x3c: {  	p2 =	seq.s32 s10, $0x1;
	s10 =	sld [smem:$0x3FB0]  }
0x3d: {  	_ =	shalt  }
0x3e: {  	_ =	shalt  }
0x3f: {  	_ =	shalt  }
0x40: {  	_ =	shalt  }
0x41: {  	_ =	shalt  }
0x42: {  	_ =	shalt  }
0x43: {  	_ =	shalt  }
0x44: {  	_ =	shalt  }
0x45: {  	_ =	shalt  }
0x46: {  	_ =	shalt  }
0x47: {  	_ =	shalt  }
0x48: {  	_ =	shalt  }
0x49: {  	_ =	shalt  }
0x4a: {  	_ =	shalt  }
0x4b: {  	_ =	shalt  }
0x4c: {  	_ =	shalt  }
0x4d: {  	_ =	shalt  }
0x4e: {  	_ =	shalt  }
0x4f: {  	_ =	shalt  }
0x50: {  	_ =	shalt  }
0x51: {  	_ =	shalt  }
0x52: {  	_ =	shalt  }
0x53: {  	_ =	shalt  }
0x54: {  	_ =	shalt  }
0x55: {  	_ =	shalt  }
0x56: {  	_ =	shalt  }
0x57: {  	_ =	shalt  }
0x58: {  	_ =	shalt  }
0x59: {  	_ =	shalt  }
0x5a: {  	_ =	shalt  }
0x5b: {  	_ =	shalt  }
0x5c: {  	_ =	shalt  }
0x5d: {  	_ =	shalt  }
0x5e: {  	_ =	shalt  }
0x5f: {  	_ =	shalt  }
0x60: {  	_ =	shalt  }
0x61: {  	_ =	shalt  }
0x62: {  	_ =	shalt  }
0x63: {  	_ =	shalt  }
0x64: {  	_ =	shalt  }
0x65: {  	_ =	shalt  }
0x66: {  	_ =	shalt  }
0x67: {  	_ =	shalt  }
0x68: {  	_ =	shalt  }
0x69: {  	_ =	shalt  }
0x6a: {  	_ =	shalt  }
0x6b: {  	_ =	shalt  }
0x6c: {  	_ =	shalt  }
0x6d: {  	_ =	shalt  }
0x6e: {  	_ =	shalt  }
0x6f: {  	_ =	shalt  }
0x70: {  	_ =	shalt  }
0x71: {  	_ =	shalt  }
0x72: {  	_ =	shalt  }
0x73: {  	_ =	shalt  }
0x74: {  	_ =	shalt  }
0x75: {  	_ =	shalt  }
0x76: {  	_ =	shalt  }
0x77: {  	_ =	shalt  }
0x78: {  	_ =	shalt  }
0x79: {  	_ =	shalt  }
0x7a: {  	_ =	shalt  }
0x7b: {  	_ =	shalt  }
0x7c: {  	_ =	shalt  }
0x7d: {  	_ =	shalt  }
0x7e: {  	_ =	shalt  }
0x7f: {  	_ =	shalt  }
0x80: {  	_ =	shalt  }
0x81: {  	_ =	shalt  }
0x82: {  	_ =	shalt  }
0x83: {  	_ =	shalt  }
0x84: {  	_ =	shalt  }
0x85: {  	_ =	shalt  }
0x86: {  	_ =	shalt  }
0x87: {  	_ =	shalt  }
.Lfunc_end0:
.L_simem_size_0:
called_computation.1_lowered:
.L_overlay_start_0:
0x88: {  	s2 =	sld [smem:$0x3FD9]  }
0x89: {  	s3 =	sld [smem:$0x3FFE];
	_ =	sdelay $0x1  }
0x8a: {  	s1 =	srdreg.scid  }
0x8b: {  	s0 =	sand.u32 $0x1, s1  }
0x8c: {  	s17 =	sshll.u32 s0, $0xA;
	s2 =	sadd.s32 s3, s2  }
0x8d: {  	s2 =	sadd.s32 s2, s17  }
0x8e: {  	[smem:$0x3FBC] =	sst s2  }
0x8f: {  	_ = 	snop  }
0x90: {  	s18 =	sld [smem:$0x3FC9]  }
0x91: {  	s4 =	sld [smem:$0x3FC8]  }
0x92: {  	s5 =	sld [smem:$0x3FC7]  }
0x93: {  	s6 =	sld [smem:$0x3FC6];
	(tm) =	ssettm $0x1  }
0x94: {  	s19 =	sld [smem:$0x3FFB];
	_ =	sdelay $0x3  }
0x95: {  	_ =	strace s19  }
0x96: {  	s2 =	sld [smem:$0x3FFC];
	_ =	sdelay $0x3  }
0x97: {  	_ =	strace s2  }
0x98: {  	s2 =	sld [smem:$0x3FFD];
	_ =	sdelay $0x3  }
0x99: {  	_ =	strace s2  }
0x9a: {  	_ =	strace $0x8FFFFFFF  }
0x9b: {  	s20 =	sld [smem:$0x3FDB];
	_ =	sdelay $0x1  }
0x9c: {  	s7 =	simm.s32 $_scs_section_size  }
0x9d: {  	s8 =	simm.s32 $_size__tile_overlayer_lowered;
	s9 =	simm.s32 $_tile_overlayer_lowered  }
0x9e: {  	s10 =	simm.s32 $0x1BFF;
	s21 =	sshll.u32 s9, $0x1;
	s7 =	sadd.s32 s7, s20  }
0x9f: {  	s22 =	simm.s32 $0x0;
	s8 =	sshll.u32 s8, $0x1;
	s9 =	sadd.s32 s21, s7  }
0xa0: {  	[timem:s22], [sflag:s10] =	dma.local [hbm:s9], s8  }
0xa1: {  	_ =	swait.ge [sflag:s10], s8  }
0xa2: {  	s8 =	ssub.s32 $0x0, s8;
	[sflag:s10] =	ssyncset.done $0x0  }
0xa3: {  	[sflag:s10] =	ssyncadd.s32 s8;
	_ =	sdelay $0x1  }
0xa4: {  	s23 =	simm.s32 $0x1B8B  }
0xa5: {  	_ =	swait.ge [sflag:s23], $0x1  }
0xa6: {  	[sflag:s23] =	ssyncset.done $0x0  }
0xa7: {  	[sflag:s23] =	ssyncadd.s32 $0xFFFFFFFF  }
0xa8: {  	s8 =	sld [smem:$0x0]  }
0xa9: {  	s9 =	sand.u32 $0xFFFFFFFE, s1  }
0xaa: {  	p0 =	sne.s32 s1, s9  }
0xab: {  	s9 =	sshll.u32 @p0 s9, $0xE  }
0xac: {  	s9 =	sadd.s32 @p0 $0x11B8D, s9;
	s10 =	sshll.u32 @p0 s8, $0x11  }
0xad: {  	s9 =	sor.u32 @p0 s10, s9  }
0xae: {  	[sflag:s9] =	ssyncadd.remote.s32 @p0 $0x1;
	_ =	sdelay $0x1  }
0xaf: {  	s9 =	simm.s32 @p0 $0x1B8D  }
0xb0: {  	_ =	swait.eq @p0 [sflag:s9], $0x1  }
0xb1: {  	[sflag:s9] =	ssyncadd.s32 @p0 $0xFFFFFFFF  }
0xb2: {  	s10 =	sshll.u32 @!p0 s1, $0xE  }
0xb3: {  	s10 =	sor.u32 @!p0 $0x4000, s10;
	s9 =	simm.s32 @!p0 $0x1B8D  }
0xb4: {  	s8 =	sshll.u32 @!p0 s8, $0x11;
	s10 =	sadd.s32 @!p0 $0x11B8D, s10;
	_ =	swait.eq @!p0 [sflag:s9], $0x1  }
0xb5: {  	s8 =	sor.u32 @!p0 s8, s10;
	[sflag:s9] =	ssyncadd.s32 @!p0 $0xFFFFFFFF  }
0xb6: {  	s25 =	simm.s32 $0x1B8E;
	s24 =	sld [smem:$0x3FFE];
	[sflag:s8] =	ssyncadd.remote.s32 @!p0 $0x1  }
0xb7: {  	s26 =	simm.s32 $execute0_lowered;
	[smem:$0x3FD2] =	sst s25  }
0xb8: {  	s9 =	sshll.u32 s26, $0x1;
	_ =	strace $0x80000049;
	[dreg:$0x1] =	wrdreg $0xFFFFFFFF  }
0xb9: {  	s28 =	simm.s32 $_size_execute0_lowered;
	s7 =	sadd.s32 s7, s9;
	[dreg:$0x0] =	wrdreg $0x0  }
0xba: {  	s9 =	sshll.u32 s28, $0x1;
	[dreg:$0x2] =	wrdreg s7  }
0xbb: {  	[dreg:$0x3] =	wrdreg s9  }
0xbc: {  	[dreg:$0x4] =	wrdreg $0xC0  }
0xbd: {  	_ =	task [dreg:s22], $0x5FFFF  }
0xbe: {  	[dreg:$0x1] =	wrdreg $0xFFFFFFFF  }
0xbf: {  	[dreg:$0x0] =	wrdreg $0x60  }
0xc0: {  	[dreg:$0x2] =	wrdreg s5  }
0xc1: {  	[dreg:$0x3] =	wrdreg s6  }
0xc2: {  	[dreg:$0x4] =	wrdreg s18  }
0xc3: {  	[dreg:$0x5] =	wrdreg s4  }
0xc4: {  	[dreg:$0x6] =	wrdreg s24  }
0xc5: {  	[dreg:$0x7] =	wrdreg $0xA  }
0xc6: {  	_ =	task.clear_ibuf [dreg:s22], $0x8FFFF;
	_ =	strace $0x90000049  }
0xc7: {  	s29 =	simm.s32 $0xA;
	_ =	strace $0x8000004B  }
0xc8: {  	_ =	swait.ge [sflag:s29], $0x1  }
0xc9: {  	[sflag:s29] =	ssyncadd.s32 $0xFFFFFFFF  }
0xca: {  	_ =	strace $0x9000004B  }
0xcb: {  	_ =	sfence  }
0xcc: {  	s30 =	sld [smem:$0x0];
	_ =	sdelay $0x2  }
0xcd: {  	s31 =	sshll.u32 s1, $0xD;
	s1 =	sshrl.u32 s1, $0x2  }
0xce: {  	s4 =	sand.u32 $0x4000, s31;
	s1 =	sadd.s32 s1, s30  }
0xcf: {  	s0 =	sor.u32 s4, s0;
	s1 =	sshll.u32 s1, $0x11  }
0xd0: {  	s0 =	sor.u32 s1, s0  }
0xd1: {  	s0 =	sadd.s32 $0x8F2B, s0  }
0xd2: {  	[sflag:s0] =	ssyncadd.remote.s32 $0x1  }
0xd3: {  	_ =	sfence.sel $0xFFFF  }
0xd4: {  	[dreg:$0x0] =	wrdreg $0xFFFFFFFF;
	(pc) =	sbr.abs _section_cstart, $3  }
0xd5: {  	[dreg:$0x1] =	wrdreg $0xFFFFFFFF  }
0xd6: {  	_ =	task.clear_ibuf [dreg:s22], $0x2FFFF;
	_ =	strace $0x9FFFFFFF  }
0xd7: {  	(tm) =	ssettm $0x7FFFFFFF  }
tec
execute0_lowered:
.L_overlay_start_1:
0x0: {  	(tag) =	ssettag $0x1  }
0x1: {  	s1 =	rddreg [dreg:$0x0];
	s3 =	srdreg.scid  }
0x2: {  	s2 =	rddreg [dreg:$0x1];
	s0 =	stileid.u32;
	s17 =	sand.u32 $0x1, s3  }
0x3: {  	s5 =	rddreg [dreg:$0x2];
	s30 =	sshll.u32 s0, $0x9;
	s4 =	sshll.u32 s17, $0x8  }
0x4: {  	s6 =	rddreg [dreg:$0x3];
	s18 =	sor.u32 s4, s30  }
0x5: {  	s16 =	rddreg [dreg:$0x4];
	s4 =	simm.s32 $0x0;
	s7 =	sshrl.u32 s18, $0x3  }
0x6: {  	[smem:$0x7FF] =	sst s4;
	s7 =	sor.u32 $0x400, s7  }
0x7: {  	s3 =	rddreg [dreg:$0x5];
	_ =	strace $0x8000004A;
	s5 =	sadd.s32 s5, s7  }
0x8: {  	[tilespmem:s4], [sflag:$0x1] =	stream.linear.gather [hbm4b:s5+s4], $0x100, $0x38;
	[tilespmem:$0x10200] =	vst v63  }
0x9: {  	s8 =	simm.s32 $0x1;
	s6 =	sadd.s32 s6, s7;
	s7 =	simm.s32 $0x100  }
0xa: {  	[tilespmem:s7], [sflag:$0x2] =	stream.linear.gather [hbm4b:s6+s4], $0x100, $0x38;
	[tilespmem:$0x10200] =	vst v63  }
0xb: {  	_ =	swait.ge [sflag:s8], $0x100  }
0xc: {  	[sflag:s8] =	ssyncset.done $0x0  }
0xd: {  	s9 =	simm.s32 $0x80;
	s10 =	simm.s32 $0x200;
	[sflag:s8] =	ssyncadd.s32 $0xFFFFFF00  }
0xe: {  	[tilespmem:s10], [sflag:$0x1] =	stream.indirect.gather [hbm4b:s1+s9], $0x80, s4, s9, $0xb8;
	[tilespmem:$0x10200] =	vst v63  }
0xf: {  	s12 =	simm.s32 $0x4200;
	s11 =	simm.s32 $0x2  }
0x10: {  	[tilespmem:s12], [sflag:$0x1] =	stream.indirect.gather [hbm4b:s1+s9], $0x80, s9, s9, $0xb8;
	[tilespmem:$0x10200] =	vst v63  }
0x11: {  	_ =	swait.ge [sflag:s11], $0x100  }
0x12: {  	[sflag:s11] =	ssyncset.done $0x0  }
0x13: {  	s13 =	simm.s32 $0x8200;
	[sflag:s11] =	ssyncadd.s32 $0xFFFFFF00  }
0x14: {  	[tilespmem:s13], [sflag:$0x1] =	stream.indirect.gather [hbm4b:s2+s9], $0x80, s7, s9, $0xb8;
	[tilespmem:$0x10200] =	vst v63  }
0x15: {  	s14 =	simm.s32 $0x180;
	s15 =	simm.s32 $0xC200  }
0x16: {  	[tilespmem:s15], [sflag:$0x1] =	stream.indirect.gather [hbm4b:s2+s9], $0x80, s14, s9, $0xb8;
	[tilespmem:$0x10200] =	vst v63  }
0x17: {  	_ =	swait.ge [sflag:s8], $0x4000  }
0x18: {  	[sflag:s8] =	ssyncset.done $0x0  }
0x19: {  	[sflag:s8] =	ssyncadd.s32 $0xFFFFC000  }
0x1a: {  	s18 =	sshll.u32 s18, $0x4;
	_ =	swait.ge [sflag:s8], $0x4000  }
0x1b: {  	s18 =	sadd.s32 s18, s16;
	[sflag:s8] =	ssyncset.done $0x0  }
0x1c: {  	s16 =	sadd.s32 $0x42600, s18;
	[sflag:s8] =	ssyncadd.s32 $0xFFFFC000  }
0x1d: {  	[hbm4b:s16+s4] =	stream.linear.scatter [tilespmem:s10], [sflag:$0x2], $0x8000, $0x38;
	[tilespmem:$0x10200] =	vst v63  }
0x1e: {  	_ =	swait.ge [sflag:s8], $0x4000  }
0x1f: {  	s19 =	ssub.s32 $0x2, s17;
	[sflag:s8] =	ssyncset.done $0x0  }
0x20: {  	s31 =	sshrl.u32 s19, $0x1;
	[sflag:s8] =	ssyncadd.s32 $0xFFFFC000  }
0x21: {  	s17 =	sadd.s32 $0x62600, s18;
	s18 =	ssub.s32 s19, s31;
	_ =	swait.ge [sflag:s8], $0x4000  }
0x22: {  	s18 =	smax.u32 s18, $0x1;
	[sflag:s8] =	ssyncset.done $0x0  }
0x23: {  	p0 =	sne.s32 s18, $0x1;
	[sflag:s8] =	ssyncadd.s32 $0xFFFFC000  }
0x24: {  	[hbm4b:s17+s4] =	stream.linear.scatter [tilespmem:s13], [sflag:$0x2], $0x8000, $0x38;
	[tilespmem:$0x10200] =	vst v63  }
.Ltmp0:
0x25: {  	_ =	swait.ge [sflag:s11], $0x8000;
	(pc) =	sbr.rel @!p0 .LBB2_2-.Ltmp0, $4  }
0x26: {  	[sflag:s11] =	ssyncset.done $0x0  }
0x27: {  	[sflag:s11] =	ssyncadd.s32 $0xFFFF8000  }
0x28: {  	_ =	swait.ge [sflag:s11], $0x8000  }
0x29: {  	s18 =	sadd.s32 $0xFFFFFFFF, s18;
	[sflag:s11] =	ssyncset.done $0x0  }
.LBB2_1:
0x2a: {  	p0 =	sne.s32 s18, $0x1;
	s18 =	sadd.s32 $0xFFFFFFFF, s18;
	[sflag:s11] =	ssyncadd.s32 $0xFFFF8000  }
0x2b: {  	[tilespmem:s4], [sflag:$0x1] =	stream.linear.gather [hbm4b:s5+s4], $0x100, $0x38;
	[tilespmem:$0x10200] =	vst v63  }
0x2c: {  	_ = 	snop  }
0x2d: {  	[tilespmem:s7], [sflag:$0x2] =	stream.linear.gather [hbm4b:s6+s4], $0x100, $0x38;
	[tilespmem:$0x10200] =	vst v63  }
0x2e: {  	_ =	swait.ge [sflag:s8], $0x100  }
0x2f: {  	[sflag:s8] =	ssyncset.done $0x0  }
0x30: {  	[sflag:s8] =	ssyncadd.s32 $0xFFFFFF00  }
0x31: {  	[tilespmem:s10], [sflag:$0x1] =	stream.indirect.gather [hbm4b:s1+s9], $0x80, s4, s9, $0xb8;
	[tilespmem:$0x10200] =	vst v63  }
0x32: {  	_ = 	snop  }
0x33: {  	[tilespmem:s12], [sflag:$0x1] =	stream.indirect.gather [hbm4b:s1+s9], $0x80, s9, s9, $0xb8;
	[tilespmem:$0x10200] =	vst v63  }
0x34: {  	_ =	swait.ge [sflag:s11], $0x100  }
0x35: {  	[sflag:s11] =	ssyncset.done $0x0  }
0x36: {  	[sflag:s11] =	ssyncadd.s32 $0xFFFFFF00  }
0x37: {  	[tilespmem:s13], [sflag:$0x1] =	stream.indirect.gather [hbm4b:s2+s9], $0x80, s7, s9, $0xb8;
	[tilespmem:$0x10200] =	vst v63  }
0x38: {  	_ = 	snop  }
0x39: {  	[tilespmem:s15], [sflag:$0x1] =	stream.indirect.gather [hbm4b:s2+s9], $0x80, s14, s9, $0xb8;
	[tilespmem:$0x10200] =	vst v63  }
0x3a: {  	_ =	swait.ge [sflag:s8], $0x4000  }
0x3b: {  	[sflag:s8] =	ssyncset.done $0x0  }
0x3c: {  	[sflag:s8] =	ssyncadd.s32 $0xFFFFC000  }
0x3d: {  	_ =	swait.ge [sflag:s8], $0x4000  }
0x3e: {  	[sflag:s8] =	ssyncset.done $0x0  }
0x3f: {  	[sflag:s8] =	ssyncadd.s32 $0xFFFFC000  }
0x40: {  	[hbm4b:s16+s4] =	stream.linear.scatter [tilespmem:s10], [sflag:$0x2], $0x8000, $0x38;
	[tilespmem:$0x10200] =	vst v63  }
0x41: {  	_ =	swait.ge [sflag:s8], $0x4000  }
0x42: {  	[sflag:s8] =	ssyncset.done $0x0  }
0x43: {  	[sflag:s8] =	ssyncadd.s32 $0xFFFFC000  }
0x44: {  	_ =	swait.ge [sflag:s8], $0x4000  }
0x45: {  	[sflag:s8] =	ssyncset.done $0x0  }
0x46: {  	[sflag:s8] =	ssyncadd.s32 $0xFFFFC000  }
0x47: {  	[hbm4b:s17+s4] =	stream.linear.scatter [tilespmem:s13], [sflag:$0x2], $0x8000, $0x38;
	[tilespmem:$0x10200] =	vst v63  }
.Ltmp1:
0x48: {  	_ =	swait.ge [sflag:s11], $0x8000;
	(pc) =	sbr.rel @p0 .LBB2_1-.Ltmp1, $4  }
0x49: {  	[sflag:s11] =	ssyncset.done $0x0  }
0x4a: {  	[sflag:s11] =	ssyncadd.s32 $0xFFFF8000  }
0x4b: {  	_ =	swait.ge [sflag:s11], $0x8000  }
0x4c: {  	[sflag:s11] =	ssyncset.done $0x0  }
.LBB2_2:
0x4d: {  	[sflag:s11] =	ssyncadd.s32 $0xFFFF8000  }
0x4e: {  	_ =	sfence.sel $0x180000  }
0x4f: {  	[bflag:$0x0] =	sbarrier.arrive $0xFFFF  }
0x50: {  	p0 =	sne.s32 s0, $0x0;
	_ =	strace $0x9000004A  }
0x51: {  	s0 =	sadd.s32 @!p0 $0x100000, s3;
	[bflag:$0x2] =	sbarrier.arrive $0xFFFF  }
0x52: {  	[sflag:s0] =	ssyncadd.tile.s32 @!p0 $0x1;
	_ =	shalt  }
.Lfunc_end2:
_tile_overlayer_lowered:
.L_overlay_start_2:
0x53: {  	(tag) =	ssettag $0x2  }
0x54: {  	s0 =	rddreg [dreg:$0x0];
	s2 =	stileid.u32  }
0x55: {  	s1 =	rddreg [dreg:$0x1];
	p0 =	sne.s32 s2, $0x0  }
0x56: {  	s3 =	rddreg [dreg:$0x2];
	[bflag:$0x3] =	sbarrier.arrive $0xFFFF;
	s2 =	simm.s32 @!p0 $0x1C03  }
0x57: {  	[timem:s3], [sflag:s2] =	dma.local @!p0 [hbm:s0], s1  }
0x58: {  	s0 =	simm.s32 @!p0 $0x3  }
0x59: {  	_ =	swait.ge @!p0 [sflag:s0], s1  }
0x5a: {  	s1 =	ssub.s32 @!p0 $0x0, s1;
	[sflag:s0] =	ssyncset.done @!p0 $0x0  }
0x5b: {  	[sflag:s0] =	ssyncadd.s32 @!p0 s1  }
0x5c: {  	[bflag:$0x3] =	sbarrier.arrive $0xFFFF  }
0x5d: {  	_ =	shalt  }

</sc_bundles>
